<compile_context>
chip_gen: v7x
topology: tpu7x:2x2x1
jax: 0.10.2.dev20260603
libtpu: 0.0.44.dev20260713+nightly
codegen_flags: <defaults>
</compile_context>

<pallas_src>
import functools

import jax
import jax.numpy as jnp
from jax import lax
from jax.experimental import pallas as pl
from jax.experimental.pallas import tpu as pltpu
from jax.experimental.pallas import tpu_sc as plsc

VOCAB = 100000
N_PREFIX = 200
EMBED_DIM = 64
BATCH = 4096
HIST = 200
PAD_DIM = 128
GROUP = 128
HGROUP = GROUP // 2

NC = 2
NS = 16
NW = NC * NS

NBUF = 4
LEAD = 2
VLEN = 16


def _sc_gather(table_pad, idx_groups):
    ngroups = idx_groups.shape[0]
    GPW = ngroups // NW
    NITER = GPW // NBUF
    mesh = plsc.VectorSubcoreMesh(
        core_axis_name="c", subcore_axis_name="s", num_cores=NC, num_subcores=NS
    )

    @functools.partial(
        pl.kernel,
        out_type=jax.ShapeDtypeStruct((ngroups * HGROUP, PAD_DIM), jnp.float32),
        mesh=mesh,
        compiler_params=pltpu.CompilerParams(use_tc_tiling_on_sc=True),
        scratch_types=[
            pltpu.VMEM((GPW, GROUP), jnp.int32),
            pltpu.VMEM((NBUF, GROUP, PAD_DIM), jnp.float32),
            pltpu.VMEM((NBUF, HGROUP, PAD_DIM), jnp.float32),
        ]
        + [pltpu.SemaphoreType.DMA] * (2 * NBUF),
    )
    def body(table_hbm, idx_hbm, out_hbm, idx_t, rows, packed, *sems):
        gsems = sems[:NBUF]
        ssems = sems[NBUF:]
        wid = lax.axis_index("s") * NC + lax.axis_index("c")
        gbase = wid * GPW

        pltpu.sync_copy(idx_hbm.at[pl.ds(gbase, GPW)], idx_t)

        def start_gather(g, b):
            pltpu.async_copy(
                table_hbm.at[idx_t.at[g]], rows.at[b], gsems[b]
            )

        def wait_gather(b):
            pltpu.make_async_copy(
                table_hbm.at[idx_t.at[0]], rows.at[b], gsems[b]
            ).wait()

        def repack(b):
            def body_r(r, c):
                for half in range(2):
                    for k in range(EMBED_DIM // VLEN):
                        packed[b, r, pl.ds(half * EMBED_DIM + k * VLEN, VLEN)] = (
                            rows[b, 2 * r + half, pl.ds(k * VLEN, VLEN)]
                        )
                return c

            lax.fori_loop(0, HGROUP, body_r, 0)

        def start_scatter(g, b):
            pltpu.async_copy(
                packed.at[b],
                out_hbm.at[pl.ds((gbase + g) * HGROUP, HGROUP)],
                ssems[b],
            )

        def wait_scatter(b):
            pltpu.make_async_copy(
                packed.at[b],
                out_hbm.at[pl.ds(gbase * HGROUP, HGROUP)],
                ssems[b],
            ).wait()

        for b in range(LEAD):
            start_gather(b, b)

        def loop(j, carry):
            for b in range(NBUF):
                wait_gather(b)

                @pl.when(j > 0)
                def _():
                    wait_scatter(b)

                repack(b)
                start_scatter(j * NBUF + b, b)
                b2 = (b + LEAD) % NBUF
                if b2 >= LEAD:
                    start_gather(j * NBUF + b2, b2)
                else:
                    @pl.when(j < NITER - 1)
                    def _():
                        start_gather((j + 1) * NBUF + b2, b2)

            return carry

        lax.fori_loop(0, NITER, loop, 0)

        for b in range(NBUF):
            wait_scatter(b)

    return body(table_pad, idx_groups)


@jax.jit
def kernel(input, W_embed, W_new):
    table = jnp.concatenate([W_embed, W_new], axis=0)
    table_pad = jnp.pad(table, ((0, 0), (0, PAD_DIM - EMBED_DIM)))
    idx_groups = input.astype(jnp.int32).reshape(BATCH * HIST // GROUP, GROUP)
    out = _sc_gather(table_pad, idx_groups)
    return out.reshape(BATCH, HIST, EMBED_DIM)

# --- scband reference (transcript-rebuilt; emitter-appended) ---
"""Pipeline reference for scband-my-embedding-1846835937763 (READ-ONLY COPY).

The authoritative reference and input builder live on the scoring server;
editing this copy changes nothing except your own understanding.
"""

import jax, jax.numpy as jnp
import numpy as np

VOCAB = 100000
N_PREFIX = 200
EMBED_DIM = 64
BATCH = 4096
HIST = 200

def setup_inputs(seed: int = 0) -> dict:
    key = jax.random.key(seed)
    k1, k2, k3 = jax.random.split(key, 3)
    W_embed = jax.random.normal(k1, (VOCAB, EMBED_DIM), dtype=jnp.float32)
    W_new = jax.random.normal(k2, (N_PREFIX, EMBED_DIM), dtype=jnp.float32)
    inp = jax.random.randint(k3, (BATCH, HIST), 0, VOCAB + N_PREFIX).astype(jnp.int64)
    return {"input": inp, "W_embed": W_embed, "W_new": W_new}

def reference(input, W_embed, W_new):
    # torch: F.embedding(input, cat([embed.weight, new_embed.weight], 0))
    # padding_idx/max_norm are None, scale_grad_by_freq/sparse False -> plain gather
    table = jnp.concatenate([W_embed, W_new], axis=0)
    return jnp.take(table, input, axis=0)

if __name__ == "__main__":
    import jax
    _d = setup_inputs()
    print(jax.jit(kernel)(*tuple(_d.values())))

</pallas_src>

<mosaic_0001>
#map = affine_map<(d0, d1) -> (0, 0)>
module attributes {stable_mosaic.version = 14 : i64} {
  func.func @body(%arg0: i32, %arg1: i32, %arg2: memref<100200x128xf32, #tpu.memory_space<hbm>>, %arg3: memref<6400x128xi32, #tpu.memory_space<hbm>>, %arg4: memref<409600x128xf32, #tpu.memory_space<hbm>>, %arg5: memref<200x128xi32, #tpu.memory_space<vmem>>, %arg6: memref<4x128x128xf32, #tpu.memory_space<vmem>>, %arg7: memref<4x64x128xf32, #tpu.memory_space<vmem>>, %arg8: memref<!tpu.dma_semaphore, #tpu.memory_space<semaphore_mem>>, %arg9: memref<!tpu.dma_semaphore, #tpu.memory_space<semaphore_mem>>, %arg10: memref<!tpu.dma_semaphore, #tpu.memory_space<semaphore_mem>>, %arg11: memref<!tpu.dma_semaphore, #tpu.memory_space<semaphore_mem>>, %arg12: memref<!tpu.dma_semaphore, #tpu.memory_space<semaphore_mem>>, %arg13: memref<!tpu.dma_semaphore, #tpu.memory_space<semaphore_mem>>, %arg14: memref<!tpu.dma_semaphore, #tpu.memory_space<semaphore_mem>>, %arg15: memref<!tpu.dma_semaphore, #tpu.memory_space<semaphore_mem>>) attributes {dimension_semantics = [#tpu.dimension_semantics<core_parallel>, #tpu.dimension_semantics<subcore_parallel>], iteration_bounds = array<i64: 2, 16>, scalar_prefetch = 0 : i64, scratch_operands = 11 : i64, tpu.core_type = #tpu.core_type<sc_vector_subcore>, window_params = [{transform_indices = #map}, {transform_indices = #map}, {transform_indices = #map}]} {
    %mul3A = arith.constant 2 : i32
    %mul3A_0 = arith.muli %arg1, %mul3A : i32
    %add3A = arith.addi %mul3A_0, %arg0 : i32
    %mul3A_1 = arith.constant 200 : i32
    %mul3A_2 = arith.muli %add3A, %mul3A_1 : i32
    "tpu.region"() ({
      %run_scoped3A = tpu.sem_alloc : memref<!tpu.dma_semaphore, #tpu.memory_space<semaphore_mem>>
      %dma_start3A_90 = arith.constant 0 : i32
      %dma_start3A_91 = tpu.memref_slice %arg3[%mul3A_2, %dma_start3A_90] : memref<6400x128xi32, #tpu.memory_space<hbm>> -> memref<200x128xi32, #tpu.memory_space<hbm>>
      %dma_start3A_92 = arith.constant 0 : i32
      %dma_start3A_93 = tpu.memref_slice %arg3[%mul3A_2, %dma_start3A_92] : memref<6400x128xi32, #tpu.memory_space<hbm>> -> memref<200x128xi32, #tpu.memory_space<hbm>>
      tpu.enqueue_dma source(%dma_start3A_93 : memref<200x128xi32, #tpu.memory_space<hbm>>) target(%arg5 : memref<200x128xi32, #tpu.memory_space<vmem>>) target_semaphore(%run_scoped3A : memref<!tpu.dma_semaphore, #tpu.memory_space<semaphore_mem>>)
      %dma_wait3A_94 = arith.constant 0 : i32
      %dma_wait3A_95 = tpu.memref_slice %arg3[%mul3A_2, %dma_wait3A_94] : memref<6400x128xi32, #tpu.memory_space<hbm>> -> memref<200x128xi32, #tpu.memory_space<hbm>>
      %dma_wait3A_96 = arith.constant 0 : i32
      %dma_wait3A_97 = tpu.memref_slice %arg3[%mul3A_2, %dma_wait3A_96] : memref<6400x128xi32, #tpu.memory_space<hbm>> -> memref<200x128xi32, #tpu.memory_space<hbm>>
      tpu.wait_dma2 semaphore(%run_scoped3A : memref<!tpu.dma_semaphore, #tpu.memory_space<semaphore_mem>>) src(%dma_wait3A_97 : memref<200x128xi32, #tpu.memory_space<hbm>>) dst(%arg5 : memref<200x128xi32, #tpu.memory_space<vmem>>)
      tpu.yield
    }) : () -> ()
    %dma_start3A = arith.constant 0 : i32
    %dma_start3A_3 = arith.constant 0 : i32
    %dma_start3A_4 = arith.constant 0 : i32
    %dma_start3A_5 = arith.constant 0 : i32
    %dma_start3A_6 = tpu.memref_slice %arg6[%dma_start3A_3, %dma_start3A_4, %dma_start3A_5] : memref<4x128x128xf32, #tpu.memory_space<vmem>> -> memref<1x128x128xf32, #tpu.memory_space<vmem>>
    %dma_start3A_7 = tpu.memref_squeeze %dma_start3A_6 : memref<1x128x128xf32, #tpu.memory_space<vmem>> -> memref<128x128xf32, #tpu.memory_space<vmem>>
    %dma_start3A_8 = arith.constant 0 : i32
    %dma_start3A_9 = tpu.memref_slice %arg5[%dma_start3A, %dma_start3A_8] : memref<200x128xi32, #tpu.memory_space<vmem>> -> memref<1x128xi32, #tpu.memory_space<vmem>>
    %dma_start3A_10 = tpu.memref_squeeze %dma_start3A_9 : memref<1x128xi32, #tpu.memory_space<vmem>> -> memref<128xi32, #tpu.memory_space<vmem>>
    %dma_start3A_11 = arith.constant 0 : i32
    %dma_start3A_12 = arith.constant 0 : i32
    %dma_start3A_13 = tpu.memref_slice %arg2[%dma_start3A_11, %dma_start3A_12] : memref<100200x128xf32, #tpu.memory_space<hbm>> -> memref<100200x128xf32, #tpu.memory_space<hbm>>
    tpu.enqueue_indirect_dma source(%dma_start3A_13 : memref<100200x128xf32, #tpu.memory_space<hbm>>) target(%dma_start3A_7 : memref<128x128xf32, #tpu.memory_space<vmem>>) offsets(%dma_start3A_10 : memref<128xi32, #tpu.memory_space<vmem>>) semaphore(%arg8 : memref<!tpu.dma_semaphore, #tpu.memory_space<semaphore_mem>>)
    %dma_start3A_14 = arith.constant 1 : i32
    %dma_start3A_15 = arith.constant 1 : i32
    %dma_start3A_16 = arith.constant 0 : i32
    %dma_start3A_17 = arith.constant 0 : i32
    %dma_start3A_18 = tpu.memref_slice %arg6[%dma_start3A_15, %dma_start3A_16, %dma_start3A_17] : memref<4x128x128xf32, #tpu.memory_space<vmem>> -> memref<1x128x128xf32, #tpu.memory_space<vmem>>
    %dma_start3A_19 = tpu.memref_squeeze %dma_start3A_18 : memref<1x128x128xf32, #tpu.memory_space<vmem>> -> memref<128x128xf32, #tpu.memory_space<vmem>>
    %dma_start3A_20 = arith.constant 0 : i32
    %dma_start3A_21 = tpu.memref_slice %arg5[%dma_start3A_14, %dma_start3A_20] : memref<200x128xi32, #tpu.memory_space<vmem>> -> memref<1x128xi32, #tpu.memory_space<vmem>>
    %dma_start3A_22 = tpu.memref_squeeze %dma_start3A_21 : memref<1x128xi32, #tpu.memory_space<vmem>> -> memref<128xi32, #tpu.memory_space<vmem>>
    %dma_start3A_23 = arith.constant 0 : i32
    %dma_start3A_24 = arith.constant 0 : i32
    %dma_start3A_25 = tpu.memref_slice %arg2[%dma_start3A_23, %dma_start3A_24] : memref<100200x128xf32, #tpu.memory_space<hbm>> -> memref<100200x128xf32, #tpu.memory_space<hbm>>
    tpu.enqueue_indirect_dma source(%dma_start3A_25 : memref<100200x128xf32, #tpu.memory_space<hbm>>) target(%dma_start3A_19 : memref<128x128xf32, #tpu.memory_space<vmem>>) offsets(%dma_start3A_22 : memref<128xi32, #tpu.memory_space<vmem>>) semaphore(%arg9 : memref<!tpu.dma_semaphore, #tpu.memory_space<semaphore_mem>>)
    %scan3A = arith.constant 0 : i32
    %scan3A_26 = arith.constant 0 : i32
    %scan3A_27 = arith.constant 50 : i32
    %scan3A_28 = arith.addi %scan3A_26, %scan3A_27 : i32
    %scan3A_29 = arith.constant 1 : i32
    scf.for %scan3A_90 = %scan3A_26 to %scan3A_28 step %scan3A_29  : i32 {
      %dma_wait3A_91 = arith.constant 0 : i32
      %dma_wait3A_92 = arith.constant 0 : i32
      %dma_wait3A_93 = arith.constant 0 : i32
      %dma_wait3A_94 = arith.constant 0 : i32
      %dma_wait3A_95 = tpu.memref_slice %arg6[%dma_wait3A_92, %dma_wait3A_93, %dma_wait3A_94] : memref<4x128x128xf32, #tpu.memory_space<vmem>> -> memref<1x128x128xf32, #tpu.memory_space<vmem>>
      %dma_wait3A_96 = tpu.memref_squeeze %dma_wait3A_95 : memref<1x128x128xf32, #tpu.memory_space<vmem>> -> memref<128x128xf32, #tpu.memory_space<vmem>>
      %dma_wait3A_97 = arith.constant 0 : i32
      %dma_wait3A_98 = tpu.memref_slice %arg5[%dma_wait3A_91, %dma_wait3A_97] : memref<200x128xi32, #tpu.memory_space<vmem>> -> memref<1x128xi32, #tpu.memory_space<vmem>>
      %dma_wait3A_99 = tpu.memref_squeeze %dma_wait3A_98 : memref<1x128xi32, #tpu.memory_space<vmem>> -> memref<128xi32, #tpu.memory_space<vmem>>
      %dma_wait3A_100 = arith.constant 0 : i32
      %dma_wait3A_101 = arith.constant 0 : i32
      %dma_wait3A_102 = tpu.memref_slice %arg2[%dma_wait3A_100, %dma_wait3A_101] : memref<100200x128xf32, #tpu.memory_space<hbm>> -> memref<100200x128xf32, #tpu.memory_space<hbm>>
      tpu.wait_indirect_dma semaphore(%arg8 : memref<!tpu.dma_semaphore, #tpu.memory_space<semaphore_mem>>) src(%dma_wait3A_102 : memref<100200x128xf32, #tpu.memory_space<hbm>>) dst(%dma_wait3A_96 : memref<128x128xf32, #tpu.memory_space<vmem>>)
      %gt3A = arith.constant 0 : i32
      %gt3A_103 = arith.cmpi sgt, %scan3A_90, %gt3A : i32
      %convert_element_type3A = arith.extui %gt3A_103 : i1 to i32
      %cond3A = arith.constant 0 : i32
      %cond3A_104 = arith.cmpi ne, %convert_element_type3A, %cond3A : i32
      scf.if %cond3A_104 {
        %mul3A_299 = arith.constant 64 : i32
        %mul3A_300 = arith.muli %mul3A_2, %mul3A_299 : i32
        %dma_wait3A_301 = arith.constant 0 : i32
        %dma_wait3A_302 = arith.constant 0 : i32
        %dma_wait3A_303 = arith.constant 0 : i32
        %dma_wait3A_304 = tpu.memref_slice %arg7[%dma_wait3A_301, %dma_wait3A_302, %dma_wait3A_303] : memref<4x64x128xf32, #tpu.memory_space<vmem>> -> memref<1x64x128xf32, #tpu.memory_space<vmem>>
        %dma_wait3A_305 = tpu.memref_squeeze %dma_wait3A_304 : memref<1x64x128xf32, #tpu.memory_space<vmem>> -> memref<64x128xf32, #tpu.memory_space<vmem>>
        %dma_wait3A_306 = arith.constant 0 : i32
        %dma_wait3A_307 = tpu.memref_slice %arg4[%mul3A_300, %dma_wait3A_306] : memref<409600x128xf32, #tpu.memory_space<hbm>> -> memref<64x128xf32, #tpu.memory_space<hbm>>
        %dma_wait3A_308 = arith.constant 0 : i32
        %dma_wait3A_309 = tpu.memref_slice %arg4[%mul3A_300, %dma_wait3A_308] : memref<409600x128xf32, #tpu.memory_space<hbm>> -> memref<64x128xf32, #tpu.memory_space<hbm>>
        %dma_wait3A_310 = arith.constant 0 : i32
        %dma_wait3A_311 = arith.constant 0 : i32
        %dma_wait3A_312 = tpu.memref_slice %arg7[%dma_wait3A_301, %dma_wait3A_310, %dma_wait3A_311] : memref<4x64x128xf32, #tpu.memory_space<vmem>> -> memref<1x64x128xf32, #tpu.memory_space<vmem>>
        %dma_wait3A_313 = tpu.memref_squeeze %dma_wait3A_312 : memref<1x64x128xf32, #tpu.memory_space<vmem>> -> memref<64x128xf32, #tpu.memory_space<vmem>>
        tpu.wait_dma2 semaphore(%arg12 : memref<!tpu.dma_semaphore, #tpu.memory_space<semaphore_mem>>) src(%dma_wait3A_313 : memref<64x128xf32, #tpu.memory_space<vmem>>) dst(%dma_wait3A_309 : memref<64x128xf32, #tpu.memory_space<hbm>>)
      } else {
      }
      %scan3A_105 = arith.constant 0 : i32
      %scan3A_106 = arith.constant 0 : i32
      %scan3A_107 = arith.constant 64 : i32
      %scan3A_108 = arith.addi %scan3A_106, %scan3A_107 : i32
      %scan3A_109 = arith.constant 1 : i32
      scf.for %scan3A_299 = %scan3A_106 to %scan3A_108 step %scan3A_109  : i32 {
        %mul3A_300 = arith.constant 2 : i32
        %mul3A_301 = arith.muli %mul3A_300, %scan3A_299 : i32
        %add3A_302 = arith.constant 0 : i32
        %add3A_303 = arith.addi %mul3A_301, %add3A_302 : i32
        %get3A = arith.constant 0 : i32
        %get3A_304 = arith.index_cast %get3A : i32 to index
        %get3A_305 = arith.index_cast %add3A_303 : i32 to index
        %get3A_306 = arith.constant 0 : index
        %get3A_307 = tpu.vector_load %arg6[%get3A_304, %get3A_305, %get3A_306] {strides = array<i32>} : memref<4x128x128xf32, #tpu.memory_space<vmem>>, vector<1x1x16xf32>,
        %get3A_308 = vector.shape_cast %get3A_307 : vector<1x1x16xf32> to vector<16xf32>
        %swap3A = arith.constant 0 : i32
        %swap3A_309 = arith.index_cast %swap3A : i32 to index
        %swap3A_310 = arith.index_cast %scan3A_299 : i32 to index
        %swap3A_311 = arith.constant 0 : index
        %swap3A_312 = tpu.vector_load %arg7[%swap3A_309, %swap3A_310, %swap3A_311] {strides = array<i32>} : memref<4x64x128xf32, #tpu.memory_space<vmem>>, vector<1x1x16xf32>,
        %swap3A_313 = vector.shape_cast %swap3A_312 : vector<1x1x16xf32> to vector<16xf32>
        %swap3A_314 = vector.shape_cast %get3A_308 : vector<16xf32> to vector<1x1x16xf32>
        tpu.vector_store %arg7[%swap3A_309, %swap3A_310, %swap3A_311], %swap3A_314 {strides = array<i32>} : memref<4x64x128xf32, #tpu.memory_space<vmem>>, vector<1x1x16xf32>,
        %mul3A_315 = arith.constant 2 : i32
        %mul3A_316 = arith.muli %mul3A_315, %scan3A_299 : i32
        %add3A_317 = arith.constant 0 : i32
        %add3A_318 = arith.addi %mul3A_316, %add3A_317 : i32
        %get3A_319 = arith.constant 0 : i32
        %get3A_320 = arith.index_cast %get3A_319 : i32 to index
        %get3A_321 = arith.index_cast %add3A_318 : i32 to index
        %get3A_322 = arith.constant 16 : index
        %get3A_323 = tpu.vector_load %arg6[%get3A_320, %get3A_321, %get3A_322] {strides = array<i32>} : memref<4x128x128xf32, #tpu.memory_space<vmem>>, vector<1x1x16xf32>,
        %get3A_324 = vector.shape_cast %get3A_323 : vector<1x1x16xf32> to vector<16xf32>
        %swap3A_325 = arith.constant 0 : i32
        %swap3A_326 = arith.index_cast %swap3A_325 : i32 to index
        %swap3A_327 = arith.index_cast %scan3A_299 : i32 to index
        %swap3A_328 = arith.constant 16 : index
        %swap3A_329 = tpu.vector_load %arg7[%swap3A_326, %swap3A_327, %swap3A_328] {strides = array<i32>} : memref<4x64x128xf32, #tpu.memory_space<vmem>>, vector<1x1x16xf32>,
        %swap3A_330 = vector.shape_cast %swap3A_329 : vector<1x1x16xf32> to vector<16xf32>
        %swap3A_331 = vector.shape_cast %get3A_324 : vector<16xf32> to vector<1x1x16xf32>
        tpu.vector_store %arg7[%swap3A_326, %swap3A_327, %swap3A_328], %swap3A_331 {strides = array<i32>} : memref<4x64x128xf32, #tpu.memory_space<vmem>>, vector<1x1x16xf32>,
        %mul3A_332 = arith.constant 2 : i32
        %mul3A_333 = arith.muli %mul3A_332, %scan3A_299 : i32
        %add3A_334 = arith.constant 0 : i32
        %add3A_335 = arith.addi %mul3A_333, %add3A_334 : i32
        %get3A_336 = arith.constant 0 : i32
        %get3A_337 = arith.index_cast %get3A_336 : i32 to index
        %get3A_338 = arith.index_cast %add3A_335 : i32 to index
        %get3A_339 = arith.constant 32 : index
        %get3A_340 = tpu.vector_load %arg6[%get3A_337, %get3A_338, %get3A_339] {strides = array<i32>} : memref<4x128x128xf32, #tpu.memory_space<vmem>>, vector<1x1x16xf32>,
        %get3A_341 = vector.shape_cast %get3A_340 : vector<1x1x16xf32> to vector<16xf32>
        %swap3A_342 = arith.constant 0 : i32
        %swap3A_343 = arith.index_cast %swap3A_342 : i32 to index
        %swap3A_344 = arith.index_cast %scan3A_299 : i32 to index
        %swap3A_345 = arith.constant 32 : index
        %swap3A_346 = tpu.vector_load %arg7[%swap3A_343, %swap3A_344, %swap3A_345] {strides = array<i32>} : memref<4x64x128xf32, #tpu.memory_space<vmem>>, vector<1x1x16xf32>,
        %swap3A_347 = vector.shape_cast %swap3A_346 : vector<1x1x16xf32> to vector<16xf32>
        %swap3A_348 = vector.shape_cast %get3A_341 : vector<16xf32> to vector<1x1x16xf32>
        tpu.vector_store %arg7[%swap3A_343, %swap3A_344, %swap3A_345], %swap3A_348 {strides = array<i32>} : memref<4x64x128xf32, #tpu.memory_space<vmem>>, vector<1x1x16xf32>,
        %mul3A_349 = arith.constant 2 : i32
        %mul3A_350 = arith.muli %mul3A_349, %scan3A_299 : i32
        %add3A_351 = arith.constant 0 : i32
        %add3A_352 = arith.addi %mul3A_350, %add3A_351 : i32
        %get3A_353 = arith.constant 0 : i32
        %get3A_354 = arith.index_cast %get3A_353 : i32 to index
        %get3A_355 = arith.index_cast %add3A_352 : i32 to index
        %get3A_356 = arith.constant 48 : index
        %get3A_357 = tpu.vector_load %arg6[%get3A_354, %get3A_355, %get3A_356] {strides = array<i32>} : memref<4x128x128xf32, #tpu.memory_space<vmem>>, vector<1x1x16xf32>,
        %get3A_358 = vector.shape_cast %get3A_357 : vector<1x1x16xf32> to vector<16xf32>
        %swap3A_359 = arith.constant 0 : i32
        %swap3A_360 = arith.index_cast %swap3A_359 : i32 to index
        %swap3A_361 = arith.index_cast %scan3A_299 : i32 to index
        %swap3A_362 = arith.constant 48 : index
        %swap3A_363 = tpu.vector_load %arg7[%swap3A_360, %swap3A_361, %swap3A_362] {strides = array<i32>} : memref<4x64x128xf32, #tpu.memory_space<vmem>>, vector<1x1x16xf32>,
        %swap3A_364 = vector.shape_cast %swap3A_363 : vector<1x1x16xf32> to vector<16xf32>
        %swap3A_365 = vector.shape_cast %get3A_358 : vector<16xf32> to vector<1x1x16xf32>
        tpu.vector_store %arg7[%swap3A_360, %swap3A_361, %swap3A_362], %swap3A_365 {strides = array<i32>} : memref<4x64x128xf32, #tpu.memory_space<vmem>>, vector<1x1x16xf32>,
        %mul3A_366 = arith.constant 2 : i32
        %mul3A_367 = arith.muli %mul3A_366, %scan3A_299 : i32
        %add3A_368 = arith.constant 1 : i32
        %add3A_369 = arith.addi %mul3A_367, %add3A_368 : i32
        %get3A_370 = arith.constant 0 : i32
        %get3A_371 = arith.index_cast %get3A_370 : i32 to index
        %get3A_372 = arith.index_cast %add3A_369 : i32 to index
        %get3A_373 = arith.constant 0 : index
        %get3A_374 = tpu.vector_load %arg6[%get3A_371, %get3A_372, %get3A_373] {strides = array<i32>} : memref<4x128x128xf32, #tpu.memory_space<vmem>>, vector<1x1x16xf32>,
        %get3A_375 = vector.shape_cast %get3A_374 : vector<1x1x16xf32> to vector<16xf32>
        %swap3A_376 = arith.constant 0 : i32
        %swap3A_377 = arith.index_cast %swap3A_376 : i32 to index
        %swap3A_378 = arith.index_cast %scan3A_299 : i32 to index
        %swap3A_379 = arith.constant 64 : index
        %swap3A_380 = tpu.vector_load %arg7[%swap3A_377, %swap3A_378, %swap3A_379] {strides = array<i32>} : memref<4x64x128xf32, #tpu.memory_space<vmem>>, vector<1x1x16xf32>,
        %swap3A_381 = vector.shape_cast %swap3A_380 : vector<1x1x16xf32> to vector<16xf32>
        %swap3A_382 = vector.shape_cast %get3A_375 : vector<16xf32> to vector<1x1x16xf32>
        tpu.vector_store %arg7[%swap3A_377, %swap3A_378, %swap3A_379], %swap3A_382 {strides = array<i32>} : memref<4x64x128xf32, #tpu.memory_space<vmem>>, vector<1x1x16xf32>,
        %mul3A_383 = arith.constant 2 : i32
        %mul3A_384 = arith.muli %mul3A_383, %scan3A_299 : i32
        %add3A_385 = arith.constant 1 : i32
        %add3A_386 = arith.addi %mul3A_384, %add3A_385 : i32
        %get3A_387 = arith.constant 0 : i32
        %get3A_388 = arith.index_cast %get3A_387 : i32 to index
        %get3A_389 = arith.index_cast %add3A_386 : i32 to index
        %get3A_390 = arith.constant 16 : index
        %get3A_391 = tpu.vector_load %arg6[%get3A_388, %get3A_389, %get3A_390] {strides = array<i32>} : memref<4x128x128xf32, #tpu.memory_space<vmem>>, vector<1x1x16xf32>,
        %get3A_392 = vector.shape_cast %get3A_391 : vector<1x1x16xf32> to vector<16xf32>
        %swap3A_393 = arith.constant 0 : i32
        %swap3A_394 = arith.index_cast %swap3A_393 : i32 to index
        %swap3A_395 = arith.index_cast %scan3A_299 : i32 to index
        %swap3A_396 = arith.constant 80 : index
        %swap3A_397 = tpu.vector_load %arg7[%swap3A_394, %swap3A_395, %swap3A_396] {strides = array<i32>} : memref<4x64x128xf32, #tpu.memory_space<vmem>>, vector<1x1x16xf32>,
        %swap3A_398 = vector.shape_cast %swap3A_397 : vector<1x1x16xf32> to vector<16xf32>
        %swap3A_399 = vector.shape_cast %get3A_392 : vector<16xf32> to vector<1x1x16xf32>
        tpu.vector_store %arg7[%swap3A_394, %swap3A_395, %swap3A_396], %swap3A_399 {strides = array<i32>} : memref<4x64x128xf32, #tpu.memory_space<vmem>>, vector<1x1x16xf32>,
        %mul3A_400 = arith.constant 2 : i32
        %mul3A_401 = arith.muli %mul3A_400, %scan3A_299 : i32
        %add3A_402 = arith.constant 1 : i32
        %add3A_403 = arith.addi %mul3A_401, %add3A_402 : i32
        %get3A_404 = arith.constant 0 : i32
        %get3A_405 = arith.index_cast %get3A_404 : i32 to index
        %get3A_406 = arith.index_cast %add3A_403 : i32 to index
        %get3A_407 = arith.constant 32 : index
        %get3A_408 = tpu.vector_load %arg6[%get3A_405, %get3A_406, %get3A_407] {strides = array<i32>} : memref<4x128x128xf32, #tpu.memory_space<vmem>>, vector<1x1x16xf32>,
        %get3A_409 = vector.shape_cast %get3A_408 : vector<1x1x16xf32> to vector<16xf32>
        %swap3A_410 = arith.constant 0 : i32
        %swap3A_411 = arith.index_cast %swap3A_410 : i32 to index
        %swap3A_412 = arith.index_cast %scan3A_299 : i32 to index
        %swap3A_413 = arith.constant 96 : index
        %swap3A_414 = tpu.vector_load %arg7[%swap3A_411, %swap3A_412, %swap3A_413] {strides = array<i32>} : memref<4x64x128xf32, #tpu.memory_space<vmem>>, vector<1x1x16xf32>,
        %swap3A_415 = vector.shape_cast %swap3A_414 : vector<1x1x16xf32> to vector<16xf32>
        %swap3A_416 = vector.shape_cast %get3A_409 : vector<16xf32> to vector<1x1x16xf32>
        tpu.vector_store %arg7[%swap3A_411, %swap3A_412, %swap3A_413], %swap3A_416 {strides = array<i32>} : memref<4x64x128xf32, #tpu.memory_space<vmem>>, vector<1x1x16xf32>,
        %mul3A_417 = arith.constant 2 : i32
        %mul3A_418 = arith.muli %mul3A_417, %scan3A_299 : i32
        %add3A_419 = arith.constant 1 : i32
        %add3A_420 = arith.addi %mul3A_418, %add3A_419 : i32
        %get3A_421 = arith.constant 0 : i32
        %get3A_422 = arith.index_cast %get3A_421 : i32 to index
        %get3A_423 = arith.index_cast %add3A_420 : i32 to index
        %get3A_424 = arith.constant 48 : index
        %get3A_425 = tpu.vector_load %arg6[%get3A_422, %get3A_423, %get3A_424] {strides = array<i32>} : memref<4x128x128xf32, #tpu.memory_space<vmem>>, vector<1x1x16xf32>,
        %get3A_426 = vector.shape_cast %get3A_425 : vector<1x1x16xf32> to vector<16xf32>
        %swap3A_427 = arith.constant 0 : i32
        %swap3A_428 = arith.index_cast %swap3A_427 : i32 to index
        %swap3A_429 = arith.index_cast %scan3A_299 : i32 to index
        %swap3A_430 = arith.constant 112 : index
        %swap3A_431 = tpu.vector_load %arg7[%swap3A_428, %swap3A_429, %swap3A_430] {strides = array<i32>} : memref<4x64x128xf32, #tpu.memory_space<vmem>>, vector<1x1x16xf32>,
        %swap3A_432 = vector.shape_cast %swap3A_431 : vector<1x1x16xf32> to vector<16xf32>
        %swap3A_433 = vector.shape_cast %get3A_426 : vector<16xf32> to vector<1x1x16xf32>
        tpu.vector_store %arg7[%swap3A_428, %swap3A_429, %swap3A_430], %swap3A_433 {strides = array<i32>} : memref<4x64x128xf32, #tpu.memory_space<vmem>>, vector<1x1x16xf32>,
      }
      %scan3A_110 = arith.constant 64 : i32
      %mul3A_111 = arith.constant 4 : i32
      %mul3A_112 = arith.muli %scan3A_90, %mul3A_111 : i32
      %add3A_113 = arith.constant 0 : i32
      %add3A_114 = arith.addi %mul3A_112, %add3A_113 : i32
      %add3A_115 = arith.addi %mul3A_2, %add3A_114 : i32
      %mul3A_116 = arith.constant 64 : i32
      %mul3A_117 = arith.muli %add3A_115, %mul3A_116 : i32
      %dma_start3A_118 = arith.constant 0 : i32
      %dma_start3A_119 = arith.constant 0 : i32
      %dma_start3A_120 = arith.constant 0 : i32
      %dma_start3A_121 = tpu.memref_slice %arg7[%dma_start3A_118, %dma_start3A_119, %dma_start3A_120] : memref<4x64x128xf32, #tpu.memory_space<vmem>> -> memref<1x64x128xf32, #tpu.memory_space<vmem>>
      %dma_start3A_122 = tpu.memref_squeeze %dma_start3A_121 : memref<1x64x128xf32, #tpu.memory_space<vmem>> -> memref<64x128xf32, #tpu.memory_space<vmem>>
      %dma_start3A_123 = arith.constant 0 : i32
      %dma_start3A_124 = tpu.memref_slice %arg4[%mul3A_117, %dma_start3A_123] : memref<409600x128xf32, #tpu.memory_space<hbm>> -> memref<64x128xf32, #tpu.memory_space<hbm>>
      %dma_start3A_125 = arith.constant 0 : i32
      %dma_start3A_126 = tpu.memref_slice %arg4[%mul3A_117, %dma_start3A_125] : memref<409600x128xf32, #tpu.memory_space<hbm>> -> memref<64x128xf32, #tpu.memory_space<hbm>>
      %dma_start3A_127 = arith.constant 0 : i32
      %dma_start3A_128 = arith.constant 0 : i32
      %dma_start3A_129 = tpu.memref_slice %arg7[%dma_start3A_118, %dma_start3A_127, %dma_start3A_128] : memref<4x64x128xf32, #tpu.memory_space<vmem>> -> memref<1x64x128xf32, #tpu.memory_space<vmem>>
      %dma_start3A_130 = tpu.memref_squeeze %dma_start3A_129 : memref<1x64x128xf32, #tpu.memory_space<vmem>> -> memref<64x128xf32, #tpu.memory_space<vmem>>
      tpu.enqueue_dma source(%dma_start3A_130 : memref<64x128xf32, #tpu.memory_space<vmem>>) target(%dma_start3A_126 : memref<64x128xf32, #tpu.memory_space<hbm>>) target_semaphore(%arg12 : memref<!tpu.dma_semaphore, #tpu.memory_space<semaphore_mem>>)
      %mul3A_131 = arith.constant 4 : i32
      %mul3A_132 = arith.muli %scan3A_90, %mul3A_131 : i32
      %add3A_133 = arith.constant 2 : i32
      %add3A_134 = arith.addi %mul3A_132, %add3A_133 : i32
      %dma_start3A_135 = arith.constant 2 : i32
      %dma_start3A_136 = arith.constant 0 : i32
      %dma_start3A_137 = arith.constant 0 : i32
      %dma_start3A_138 = tpu.memref_slice %arg6[%dma_start3A_135, %dma_start3A_136, %dma_start3A_137] : memref<4x128x128xf32, #tpu.memory_space<vmem>> -> memref<1x128x128xf32, #tpu.memory_space<vmem>>
      %dma_start3A_139 = tpu.memref_squeeze %dma_start3A_138 : memref<1x128x128xf32, #tpu.memory_space<vmem>> -> memref<128x128xf32, #tpu.memory_space<vmem>>
      %dma_start3A_140 = arith.constant 0 : i32
      %dma_start3A_141 = tpu.memref_slice %arg5[%add3A_134, %dma_start3A_140] : memref<200x128xi32, #tpu.memory_space<vmem>> -> memref<1x128xi32, #tpu.memory_space<vmem>>
      %dma_start3A_142 = tpu.memref_squeeze %dma_start3A_141 : memref<1x128xi32, #tpu.memory_space<vmem>> -> memref<128xi32, #tpu.memory_space<vmem>>
      %dma_start3A_143 = arith.constant 0 : i32
      %dma_start3A_144 = arith.constant 0 : i32
      %dma_start3A_145 = tpu.memref_slice %arg2[%dma_start3A_143, %dma_start3A_144] : memref<100200x128xf32, #tpu.memory_space<hbm>> -> memref<100200x128xf32, #tpu.memory_space<hbm>>
      tpu.enqueue_indirect_dma source(%dma_start3A_145 : memref<100200x128xf32, #tpu.memory_space<hbm>>) target(%dma_start3A_139 : memref<128x128xf32, #tpu.memory_space<vmem>>) offsets(%dma_start3A_142 : memref<128xi32, #tpu.memory_space<vmem>>) semaphore(%arg10 : memref<!tpu.dma_semaphore, #tpu.memory_space<semaphore_mem>>)
      %dma_wait3A_146 = arith.constant 0 : i32
      %dma_wait3A_147 = arith.constant 1 : i32
      %dma_wait3A_148 = arith.constant 0 : i32
      %dma_wait3A_149 = arith.constant 0 : i32
      %dma_wait3A_150 = tpu.memref_slice %arg6[%dma_wait3A_147, %dma_wait3A_148, %dma_wait3A_149] : memref<4x128x128xf32, #tpu.memory_space<vmem>> -> memref<1x128x128xf32, #tpu.memory_space<vmem>>
      %dma_wait3A_151 = tpu.memref_squeeze %dma_wait3A_150 : memref<1x128x128xf32, #tpu.memory_space<vmem>> -> memref<128x128xf32, #tpu.memory_space<vmem>>
      %dma_wait3A_152 = arith.constant 0 : i32
      %dma_wait3A_153 = tpu.memref_slice %arg5[%dma_wait3A_146, %dma_wait3A_152] : memref<200x128xi32, #tpu.memory_space<vmem>> -> memref<1x128xi32, #tpu.memory_space<vmem>>
      %dma_wait3A_154 = tpu.memref_squeeze %dma_wait3A_153 : memref<1x128xi32, #tpu.memory_space<vmem>> -> memref<128xi32, #tpu.memory_space<vmem>>
      %dma_wait3A_155 = arith.constant 0 : i32
      %dma_wait3A_156 = arith.constant 0 : i32
      %dma_wait3A_157 = tpu.memref_slice %arg2[%dma_wait3A_155, %dma_wait3A_156] : memref<100200x128xf32, #tpu.memory_space<hbm>> -> memref<100200x128xf32, #tpu.memory_space<hbm>>
      tpu.wait_indirect_dma semaphore(%arg9 : memref<!tpu.dma_semaphore, #tpu.memory_space<semaphore_mem>>) src(%dma_wait3A_157 : memref<100200x128xf32, #tpu.memory_space<hbm>>) dst(%dma_wait3A_151 : memref<128x128xf32, #tpu.memory_space<vmem>>)
      %gt3A_158 = arith.constant 0 : i32
      %gt3A_159 = arith.cmpi sgt, %scan3A_90, %gt3A_158 : i32
      %convert_element_type3A_160 = arith.extui %gt3A_159 : i1 to i32
      %cond3A_161 = arith.constant 0 : i32
      %cond3A_162 = arith.cmpi ne, %convert_element_type3A_160, %cond3A_161 : i32
      scf.if %cond3A_162 {
        %mul3A_299 = arith.constant 64 : i32
        %mul3A_300 = arith.muli %mul3A_2, %mul3A_299 : i32
        %dma_wait3A_301 = arith.constant 1 : i32
        %dma_wait3A_302 = arith.constant 0 : i32
        %dma_wait3A_303 = arith.constant 0 : i32
        %dma_wait3A_304 = tpu.memref_slice %arg7[%dma_wait3A_301, %dma_wait3A_302, %dma_wait3A_303] : memref<4x64x128xf32, #tpu.memory_space<vmem>> -> memref<1x64x128xf32, #tpu.memory_space<vmem>>
        %dma_wait3A_305 = tpu.memref_squeeze %dma_wait3A_304 : memref<1x64x128xf32, #tpu.memory_space<vmem>> -> memref<64x128xf32, #tpu.memory_space<vmem>>
        %dma_wait3A_306 = arith.constant 0 : i32
        %dma_wait3A_307 = tpu.memref_slice %arg4[%mul3A_300, %dma_wait3A_306] : memref<409600x128xf32, #tpu.memory_space<hbm>> -> memref<64x128xf32, #tpu.memory_space<hbm>>
        %dma_wait3A_308 = arith.constant 0 : i32
        %dma_wait3A_309 = tpu.memref_slice %arg4[%mul3A_300, %dma_wait3A_308] : memref<409600x128xf32, #tpu.memory_space<hbm>> -> memref<64x128xf32, #tpu.memory_space<hbm>>
        %dma_wait3A_310 = arith.constant 0 : i32
        %dma_wait3A_311 = arith.constant 0 : i32
        %dma_wait3A_312 = tpu.memref_slice %arg7[%dma_wait3A_301, %dma_wait3A_310, %dma_wait3A_311] : memref<4x64x128xf32, #tpu.memory_space<vmem>> -> memref<1x64x128xf32, #tpu.memory_space<vmem>>
        %dma_wait3A_313 = tpu.memref_squeeze %dma_wait3A_312 : memref<1x64x128xf32, #tpu.memory_space<vmem>> -> memref<64x128xf32, #tpu.memory_space<vmem>>
        tpu.wait_dma2 semaphore(%arg13 : memref<!tpu.dma_semaphore, #tpu.memory_space<semaphore_mem>>) src(%dma_wait3A_313 : memref<64x128xf32, #tpu.memory_space<vmem>>) dst(%dma_wait3A_309 : memref<64x128xf32, #tpu.memory_space<hbm>>)
      } else {
      }
      %scan3A_163 = arith.constant 0 : i32
      %scan3A_164 = arith.constant 0 : i32
      %scan3A_165 = arith.constant 64 : i32
      %scan3A_166 = arith.addi %scan3A_164, %scan3A_165 : i32
      %scan3A_167 = arith.constant 1 : i32
      scf.for %scan3A_299 = %scan3A_164 to %scan3A_166 step %scan3A_167  : i32 {
        %mul3A_300 = arith.constant 2 : i32
        %mul3A_301 = arith.muli %mul3A_300, %scan3A_299 : i32
        %add3A_302 = arith.constant 0 : i32
        %add3A_303 = arith.addi %mul3A_301, %add3A_302 : i32
        %get3A = arith.constant 1 : i32
        %get3A_304 = arith.index_cast %get3A : i32 to index
        %get3A_305 = arith.index_cast %add3A_303 : i32 to index
        %get3A_306 = arith.constant 0 : index
        %get3A_307 = tpu.vector_load %arg6[%get3A_304, %get3A_305, %get3A_306] {strides = array<i32>} : memref<4x128x128xf32, #tpu.memory_space<vmem>>, vector<1x1x16xf32>,
        %get3A_308 = vector.shape_cast %get3A_307 : vector<1x1x16xf32> to vector<16xf32>
        %swap3A = arith.constant 1 : i32
        %swap3A_309 = arith.index_cast %swap3A : i32 to index
        %swap3A_310 = arith.index_cast %scan3A_299 : i32 to index
        %swap3A_311 = arith.constant 0 : index
        %swap3A_312 = tpu.vector_load %arg7[%swap3A_309, %swap3A_310, %swap3A_311] {strides = array<i32>} : memref<4x64x128xf32, #tpu.memory_space<vmem>>, vector<1x1x16xf32>,
        %swap3A_313 = vector.shape_cast %swap3A_312 : vector<1x1x16xf32> to vector<16xf32>
        %swap3A_314 = vector.shape_cast %get3A_308 : vector<16xf32> to vector<1x1x16xf32>
        tpu.vector_store %arg7[%swap3A_309, %swap3A_310, %swap3A_311], %swap3A_314 {strides = array<i32>} : memref<4x64x128xf32, #tpu.memory_space<vmem>>, vector<1x1x16xf32>,
        %mul3A_315 = arith.constant 2 : i32
        %mul3A_316 = arith.muli %mul3A_315, %scan3A_299 : i32
        %add3A_317 = arith.constant 0 : i32
        %add3A_318 = arith.addi %mul3A_316, %add3A_317 : i32
        %get3A_319 = arith.constant 1 : i32
        %get3A_320 = arith.index_cast %get3A_319 : i32 to index
        %get3A_321 = arith.index_cast %add3A_318 : i32 to index
        %get3A_322 = arith.constant 16 : index
        %get3A_323 = tpu.vector_load %arg6[%get3A_320, %get3A_321, %get3A_322] {strides = array<i32>} : memref<4x128x128xf32, #tpu.memory_space<vmem>>, vector<1x1x16xf32>,
        %get3A_324 = vector.shape_cast %get3A_323 : vector<1x1x16xf32> to vector<16xf32>
        %swap3A_325 = arith.constant 1 : i32
        %swap3A_326 = arith.index_cast %swap3A_325 : i32 to index
        %swap3A_327 = arith.index_cast %scan3A_299 : i32 to index
        %swap3A_328 = arith.constant 16 : index
        %swap3A_329 = tpu.vector_load %arg7[%swap3A_326, %swap3A_327, %swap3A_328] {strides = array<i32>} : memref<4x64x128xf32, #tpu.memory_space<vmem>>, vector<1x1x16xf32>,
        %swap3A_330 = vector.shape_cast %swap3A_329 : vector<1x1x16xf32> to vector<16xf32>
        %swap3A_331 = vector.shape_cast %get3A_324 : vector<16xf32> to vector<1x1x16xf32>
        tpu.vector_store %arg7[%swap3A_326, %swap3A_327, %swap3A_328], %swap3A_331 {strides = array<i32>} : memref<4x64x128xf32, #tpu.memory_space<vmem>>, vector<1x1x16xf32>,
        %mul3A_332 = arith.constant 2 : i32
        %mul3A_333 = arith.muli %mul3A_332, %scan3A_299 : i32
        %add3A_334 = arith.constant 0 : i32
        %add3A_335 = arith.addi %mul3A_333, %add3A_334 : i32
        %get3A_336 = arith.constant 1 : i32
        %get3A_337 = arith.index_cast %get3A_336 : i32 to index
        %get3A_338 = arith.index_cast %add3A_335 : i32 to index
        %get3A_339 = arith.constant 32 : index
        %get3A_340 = tpu.vector_load %arg6[%get3A_337, %get3A_338, %get3A_339] {strides = array<i32>} : memref<4x128x128xf32, #tpu.memory_space<vmem>>, vector<1x1x16xf32>,
        %get3A_341 = vector.shape_cast %get3A_340 : vector<1x1x16xf32> to vector<16xf32>
        %swap3A_342 = arith.constant 1 : i32
        %swap3A_343 = arith.index_cast %swap3A_342 : i32 to index
        %swap3A_344 = arith.index_cast %scan3A_299 : i32 to index
        %swap3A_345 = arith.constant 32 : index
        %swap3A_346 = tpu.vector_load %arg7[%swap3A_343, %swap3A_344, %swap3A_345] {strides = array<i32>} : memref<4x64x128xf32, #tpu.memory_space<vmem>>, vector<1x1x16xf32>,
        %swap3A_347 = vector.shape_cast %swap3A_346 : vector<1x1x16xf32> to vector<16xf32>
        %swap3A_348 = vector.shape_cast %get3A_341 : vector<16xf32> to vector<1x1x16xf32>
        tpu.vector_store %arg7[%swap3A_343, %swap3A_344, %swap3A_345], %swap3A_348 {strides = array<i32>} : memref<4x64x128xf32, #tpu.memory_space<vmem>>, vector<1x1x16xf32>,
        %mul3A_349 = arith.constant 2 : i32
        %mul3A_350 = arith.muli %mul3A_349, %scan3A_299 : i32
        %add3A_351 = arith.constant 0 : i32
        %add3A_352 = arith.addi %mul3A_350, %add3A_351 : i32
        %get3A_353 = arith.constant 1 : i32
        %get3A_354 = arith.index_cast %get3A_353 : i32 to index
        %get3A_355 = arith.index_cast %add3A_352 : i32 to index
        %get3A_356 = arith.constant 48 : index
        %get3A_357 = tpu.vector_load %arg6[%get3A_354, %get3A_355, %get3A_356] {strides = array<i32>} : memref<4x128x128xf32, #tpu.memory_space<vmem>>, vector<1x1x16xf32>,
        %get3A_358 = vector.shape_cast %get3A_357 : vector<1x1x16xf32> to vector<16xf32>
        %swap3A_359 = arith.constant 1 : i32
        %swap3A_360 = arith.index_cast %swap3A_359 : i32 to index
        %swap3A_361 = arith.index_cast %scan3A_299 : i32 to index
        %swap3A_362 = arith.constant 48 : index
        %swap3A_363 = tpu.vector_load %arg7[%swap3A_360, %swap3A_361, %swap3A_362] {strides = array<i32>} : memref<4x64x128xf32, #tpu.memory_space<vmem>>, vector<1x1x16xf32>,
        %swap3A_364 = vector.shape_cast %swap3A_363 : vector<1x1x16xf32> to vector<16xf32>
        %swap3A_365 = vector.shape_cast %get3A_358 : vector<16xf32> to vector<1x1x16xf32>
        tpu.vector_store %arg7[%swap3A_360, %swap3A_361, %swap3A_362], %swap3A_365 {strides = array<i32>} : memref<4x64x128xf32, #tpu.memory_space<vmem>>, vector<1x1x16xf32>,
        %mul3A_366 = arith.constant 2 : i32
        %mul3A_367 = arith.muli %mul3A_366, %scan3A_299 : i32
        %add3A_368 = arith.constant 1 : i32
        %add3A_369 = arith.addi %mul3A_367, %add3A_368 : i32
        %get3A_370 = arith.constant 1 : i32
        %get3A_371 = arith.index_cast %get3A_370 : i32 to index
        %get3A_372 = arith.index_cast %add3A_369 : i32 to index
        %get3A_373 = arith.constant 0 : index
        %get3A_374 = tpu.vector_load %arg6[%get3A_371, %get3A_372, %get3A_373] {strides = array<i32>} : memref<4x128x128xf32, #tpu.memory_space<vmem>>, vector<1x1x16xf32>,
        %get3A_375 = vector.shape_cast %get3A_374 : vector<1x1x16xf32> to vector<16xf32>
        %swap3A_376 = arith.constant 1 : i32
        %swap3A_377 = arith.index_cast %swap3A_376 : i32 to index
        %swap3A_378 = arith.index_cast %scan3A_299 : i32 to index
        %swap3A_379 = arith.constant 64 : index
        %swap3A_380 = tpu.vector_load %arg7[%swap3A_377, %swap3A_378, %swap3A_379] {strides = array<i32>} : memref<4x64x128xf32, #tpu.memory_space<vmem>>, vector<1x1x16xf32>,
        %swap3A_381 = vector.shape_cast %swap3A_380 : vector<1x1x16xf32> to vector<16xf32>
        %swap3A_382 = vector.shape_cast %get3A_375 : vector<16xf32> to vector<1x1x16xf32>
        tpu.vector_store %arg7[%swap3A_377, %swap3A_378, %swap3A_379], %swap3A_382 {strides = array<i32>} : memref<4x64x128xf32, #tpu.memory_space<vmem>>, vector<1x1x16xf32>,
        %mul3A_383 = arith.constant 2 : i32
        %mul3A_384 = arith.muli %mul3A_383, %scan3A_299 : i32
        %add3A_385 = arith.constant 1 : i32
        %add3A_386 = arith.addi %mul3A_384, %add3A_385 : i32
        %get3A_387 = arith.constant 1 : i32
        %get3A_388 = arith.index_cast %get3A_387 : i32 to index
        %get3A_389 = arith.index_cast %add3A_386 : i32 to index
        %get3A_390 = arith.constant 16 : index
        %get3A_391 = tpu.vector_load %arg6[%get3A_388, %get3A_389, %get3A_390] {strides = array<i32>} : memref<4x128x128xf32, #tpu.memory_space<vmem>>, vector<1x1x16xf32>,
        %get3A_392 = vector.shape_cast %get3A_391 : vector<1x1x16xf32> to vector<16xf32>
        %swap3A_393 = arith.constant 1 : i32
        %swap3A_394 = arith.index_cast %swap3A_393 : i32 to index
        %swap3A_395 = arith.index_cast %scan3A_299 : i32 to index
        %swap3A_396 = arith.constant 80 : index
        %swap3A_397 = tpu.vector_load %arg7[%swap3A_394, %swap3A_395, %swap3A_396] {strides = array<i32>} : memref<4x64x128xf32, #tpu.memory_space<vmem>>, vector<1x1x16xf32>,
        %swap3A_398 = vector.shape_cast %swap3A_397 : vector<1x1x16xf32> to vector<16xf32>
        %swap3A_399 = vector.shape_cast %get3A_392 : vector<16xf32> to vector<1x1x16xf32>
        tpu.vector_store %arg7[%swap3A_394, %swap3A_395, %swap3A_396], %swap3A_399 {strides = array<i32>} : memref<4x64x128xf32, #tpu.memory_space<vmem>>, vector<1x1x16xf32>,
        %mul3A_400 = arith.constant 2 : i32
        %mul3A_401 = arith.muli %mul3A_400, %scan3A_299 : i32
        %add3A_402 = arith.constant 1 : i32
        %add3A_403 = arith.addi %mul3A_401, %add3A_402 : i32
        %get3A_404 = arith.constant 1 : i32
        %get3A_405 = arith.index_cast %get3A_404 : i32 to index
        %get3A_406 = arith.index_cast %add3A_403 : i32 to index
        %get3A_407 = arith.constant 32 : index
        %get3A_408 = tpu.vector_load %arg6[%get3A_405, %get3A_406, %get3A_407] {strides = array<i32>} : memref<4x128x128xf32, #tpu.memory_space<vmem>>, vector<1x1x16xf32>,
        %get3A_409 = vector.shape_cast %get3A_408 : vector<1x1x16xf32> to vector<16xf32>
        %swap3A_410 = arith.constant 1 : i32
        %swap3A_411 = arith.index_cast %swap3A_410 : i32 to index
        %swap3A_412 = arith.index_cast %scan3A_299 : i32 to index
        %swap3A_413 = arith.constant 96 : index
        %swap3A_414 = tpu.vector_load %arg7[%swap3A_411, %swap3A_412, %swap3A_413] {strides = array<i32>} : memref<4x64x128xf32, #tpu.memory_space<vmem>>, vector<1x1x16xf32>,
        %swap3A_415 = vector.shape_cast %swap3A_414 : vector<1x1x16xf32> to vector<16xf32>
        %swap3A_416 = vector.shape_cast %get3A_409 : vector<16xf32> to vector<1x1x16xf32>
        tpu.vector_store %arg7[%swap3A_411, %swap3A_412, %swap3A_413], %swap3A_416 {strides = array<i32>} : memref<4x64x128xf32, #tpu.memory_space<vmem>>, vector<1x1x16xf32>,
        %mul3A_417 = arith.constant 2 : i32
        %mul3A_418 = arith.muli %mul3A_417, %scan3A_299 : i32
        %add3A_419 = arith.constant 1 : i32
        %add3A_420 = arith.addi %mul3A_418, %add3A_419 : i32
        %get3A_421 = arith.constant 1 : i32
        %get3A_422 = arith.index_cast %get3A_421 : i32 to index
        %get3A_423 = arith.index_cast %add3A_420 : i32 to index
        %get3A_424 = arith.constant 48 : index
        %get3A_425 = tpu.vector_load %arg6[%get3A_422, %get3A_423, %get3A_424] {strides = array<i32>} : memref<4x128x128xf32, #tpu.memory_space<vmem>>, vector<1x1x16xf32>,
        %get3A_426 = vector.shape_cast %get3A_425 : vector<1x1x16xf32> to vector<16xf32>
        %swap3A_427 = arith.constant 1 : i32
        %swap3A_428 = arith.index_cast %swap3A_427 : i32 to index
        %swap3A_429 = arith.index_cast %scan3A_299 : i32 to index
        %swap3A_430 = arith.constant 112 : index
        %swap3A_431 = tpu.vector_load %arg7[%swap3A_428, %swap3A_429, %swap3A_430] {strides = array<i32>} : memref<4x64x128xf32, #tpu.memory_space<vmem>>, vector<1x1x16xf32>,
        %swap3A_432 = vector.shape_cast %swap3A_431 : vector<1x1x16xf32> to vector<16xf32>
        %swap3A_433 = vector.shape_cast %get3A_426 : vector<16xf32> to vector<1x1x16xf32>
        tpu.vector_store %arg7[%swap3A_428, %swap3A_429, %swap3A_430], %swap3A_433 {strides = array<i32>} : memref<4x64x128xf32, #tpu.memory_space<vmem>>, vector<1x1x16xf32>,
      }
      %scan3A_168 = arith.constant 64 : i32
      %mul3A_169 = arith.constant 4 : i32
      %mul3A_170 = arith.muli %scan3A_90, %mul3A_169 : i32
      %add3A_171 = arith.constant 1 : i32
      %add3A_172 = arith.addi %mul3A_170, %add3A_171 : i32
      %add3A_173 = arith.addi %mul3A_2, %add3A_172 : i32
      %mul3A_174 = arith.constant 64 : i32
      %mul3A_175 = arith.muli %add3A_173, %mul3A_174 : i32
      %dma_start3A_176 = arith.constant 1 : i32
      %dma_start3A_177 = arith.constant 0 : i32
      %dma_start3A_178 = arith.constant 0 : i32
      %dma_start3A_179 = tpu.memref_slice %arg7[%dma_start3A_176, %dma_start3A_177, %dma_start3A_178] : memref<4x64x128xf32, #tpu.memory_space<vmem>> -> memref<1x64x128xf32, #tpu.memory_space<vmem>>
      %dma_start3A_180 = tpu.memref_squeeze %dma_start3A_179 : memref<1x64x128xf32, #tpu.memory_space<vmem>> -> memref<64x128xf32, #tpu.memory_space<vmem>>
      %dma_start3A_181 = arith.constant 0 : i32
      %dma_start3A_182 = tpu.memref_slice %arg4[%mul3A_175, %dma_start3A_181] : memref<409600x128xf32, #tpu.memory_space<hbm>> -> memref<64x128xf32, #tpu.memory_space<hbm>>
      %dma_start3A_183 = arith.constant 0 : i32
      %dma_start3A_184 = tpu.memref_slice %arg4[%mul3A_175, %dma_start3A_183] : memref<409600x128xf32, #tpu.memory_space<hbm>> -> memref<64x128xf32, #tpu.memory_space<hbm>>
      %dma_start3A_185 = arith.constant 0 : i32
      %dma_start3A_186 = arith.constant 0 : i32
      %dma_start3A_187 = tpu.memref_slice %arg7[%dma_start3A_176, %dma_start3A_185, %dma_start3A_186] : memref<4x64x128xf32, #tpu.memory_space<vmem>> -> memref<1x64x128xf32, #tpu.memory_space<vmem>>
      %dma_start3A_188 = tpu.memref_squeeze %dma_start3A_187 : memref<1x64x128xf32, #tpu.memory_space<vmem>> -> memref<64x128xf32, #tpu.memory_space<vmem>>
      tpu.enqueue_dma source(%dma_start3A_188 : memref<64x128xf32, #tpu.memory_space<vmem>>) target(%dma_start3A_184 : memref<64x128xf32, #tpu.memory_space<hbm>>) target_semaphore(%arg13 : memref<!tpu.dma_semaphore, #tpu.memory_space<semaphore_mem>>)
      %mul3A_189 = arith.constant 4 : i32
      %mul3A_190 = arith.muli %scan3A_90, %mul3A_189 : i32
      %add3A_191 = arith.constant 3 : i32
      %add3A_192 = arith.addi %mul3A_190, %add3A_191 : i32
      %dma_start3A_193 = arith.constant 3 : i32
      %dma_start3A_194 = arith.constant 0 : i32
      %dma_start3A_195 = arith.constant 0 : i32
      %dma_start3A_196 = tpu.memref_slice %arg6[%dma_start3A_193, %dma_start3A_194, %dma_start3A_195] : memref<4x128x128xf32, #tpu.memory_space<vmem>> -> memref<1x128x128xf32, #tpu.memory_space<vmem>>
      %dma_start3A_197 = tpu.memref_squeeze %dma_start3A_196 : memref<1x128x128xf32, #tpu.memory_space<vmem>> -> memref<128x128xf32, #tpu.memory_space<vmem>>
      %dma_start3A_198 = arith.constant 0 : i32
      %dma_start3A_199 = tpu.memref_slice %arg5[%add3A_192, %dma_start3A_198] : memref<200x128xi32, #tpu.memory_space<vmem>> -> memref<1x128xi32, #tpu.memory_space<vmem>>
      %dma_start3A_200 = tpu.memref_squeeze %dma_start3A_199 : memref<1x128xi32, #tpu.memory_space<vmem>> -> memref<128xi32, #tpu.memory_space<vmem>>
      %dma_start3A_201 = arith.constant 0 : i32
      %dma_start3A_202 = arith.constant 0 : i32
      %dma_start3A_203 = tpu.memref_slice %arg2[%dma_start3A_201, %dma_start3A_202] : memref<100200x128xf32, #tpu.memory_space<hbm>> -> memref<100200x128xf32, #tpu.memory_space<hbm>>
      tpu.enqueue_indirect_dma source(%dma_start3A_203 : memref<100200x128xf32, #tpu.memory_space<hbm>>) target(%dma_start3A_197 : memref<128x128xf32, #tpu.memory_space<vmem>>) offsets(%dma_start3A_200 : memref<128xi32, #tpu.memory_space<vmem>>) semaphore(%arg11 : memref<!tpu.dma_semaphore, #tpu.memory_space<semaphore_mem>>)
      %dma_wait3A_204 = arith.constant 0 : i32
      %dma_wait3A_205 = arith.constant 2 : i32
      %dma_wait3A_206 = arith.constant 0 : i32
      %dma_wait3A_207 = arith.constant 0 : i32
      %dma_wait3A_208 = tpu.memref_slice %arg6[%dma_wait3A_205, %dma_wait3A_206, %dma_wait3A_207] : memref<4x128x128xf32, #tpu.memory_space<vmem>> -> memref<1x128x128xf32, #tpu.memory_space<vmem>>
      %dma_wait3A_209 = tpu.memref_squeeze %dma_wait3A_208 : memref<1x128x128xf32, #tpu.memory_space<vmem>> -> memref<128x128xf32, #tpu.memory_space<vmem>>
      %dma_wait3A_210 = arith.constant 0 : i32
      %dma_wait3A_211 = tpu.memref_slice %arg5[%dma_wait3A_204, %dma_wait3A_210] : memref<200x128xi32, #tpu.memory_space<vmem>> -> memref<1x128xi32, #tpu.memory_space<vmem>>
      %dma_wait3A_212 = tpu.memref_squeeze %dma_wait3A_211 : memref<1x128xi32, #tpu.memory_space<vmem>> -> memref<128xi32, #tpu.memory_space<vmem>>
      %dma_wait3A_213 = arith.constant 0 : i32
      %dma_wait3A_214 = arith.constant 0 : i32
      %dma_wait3A_215 = tpu.memref_slice %arg2[%dma_wait3A_213, %dma_wait3A_214] : memref<100200x128xf32, #tpu.memory_space<hbm>> -> memref<100200x128xf32, #tpu.memory_space<hbm>>
      tpu.wait_indirect_dma semaphore(%arg10 : memref<!tpu.dma_semaphore, #tpu.memory_space<semaphore_mem>>) src(%dma_wait3A_215 : memref<100200x128xf32, #tpu.memory_space<hbm>>) dst(%dma_wait3A_209 : memref<128x128xf32, #tpu.memory_space<vmem>>)
      %gt3A_216 = arith.constant 0 : i32
      %gt3A_217 = arith.cmpi sgt, %scan3A_90, %gt3A_216 : i32
      %convert_element_type3A_218 = arith.extui %gt3A_217 : i1 to i32
      %cond3A_219 = arith.constant 0 : i32
      %cond3A_220 = arith.cmpi ne, %convert_element_type3A_218, %cond3A_219 : i32
      scf.if %cond3A_220 {
        %mul3A_299 = arith.constant 64 : i32
        %mul3A_300 = arith.muli %mul3A_2, %mul3A_299 : i32
        %dma_wait3A_301 = arith.constant 2 : i32
        %dma_wait3A_302 = arith.constant 0 : i32
        %dma_wait3A_303 = arith.constant 0 : i32
        %dma_wait3A_304 = tpu.memref_slice %arg7[%dma_wait3A_301, %dma_wait3A_302, %dma_wait3A_303] : memref<4x64x128xf32, #tpu.memory_space<vmem>> -> memref<1x64x128xf32, #tpu.memory_space<vmem>>
        %dma_wait3A_305 = tpu.memref_squeeze %dma_wait3A_304 : memref<1x64x128xf32, #tpu.memory_space<vmem>> -> memref<64x128xf32, #tpu.memory_space<vmem>>
        %dma_wait3A_306 = arith.constant 0 : i32
        %dma_wait3A_307 = tpu.memref_slice %arg4[%mul3A_300, %dma_wait3A_306] : memref<409600x128xf32, #tpu.memory_space<hbm>> -> memref<64x128xf32, #tpu.memory_space<hbm>>
        %dma_wait3A_308 = arith.constant 0 : i32
        %dma_wait3A_309 = tpu.memref_slice %arg4[%mul3A_300, %dma_wait3A_308] : memref<409600x128xf32, #tpu.memory_space<hbm>> -> memref<64x128xf32, #tpu.memory_space<hbm>>
        %dma_wait3A_310 = arith.constant 0 : i32
        %dma_wait3A_311 = arith.constant 0 : i32
        %dma_wait3A_312 = tpu.memref_slice %arg7[%dma_wait3A_301, %dma_wait3A_310, %dma_wait3A_311] : memref<4x64x128xf32, #tpu.memory_space<vmem>> -> memref<1x64x128xf32, #tpu.memory_space<vmem>>
        %dma_wait3A_313 = tpu.memref_squeeze %dma_wait3A_312 : memref<1x64x128xf32, #tpu.memory_space<vmem>> -> memref<64x128xf32, #tpu.memory_space<vmem>>
        tpu.wait_dma2 semaphore(%arg14 : memref<!tpu.dma_semaphore, #tpu.memory_space<semaphore_mem>>) src(%dma_wait3A_313 : memref<64x128xf32, #tpu.memory_space<vmem>>) dst(%dma_wait3A_309 : memref<64x128xf32, #tpu.memory_space<hbm>>)
      } else {
      }
      %scan3A_221 = arith.constant 0 : i32
      %scan3A_222 = arith.constant 0 : i32
      %scan3A_223 = arith.constant 64 : i32
      %scan3A_224 = arith.addi %scan3A_222, %scan3A_223 : i32
      %scan3A_225 = arith.constant 1 : i32
      scf.for %scan3A_299 = %scan3A_222 to %scan3A_224 step %scan3A_225  : i32 {
        %mul3A_300 = arith.constant 2 : i32
        %mul3A_301 = arith.muli %mul3A_300, %scan3A_299 : i32
        %add3A_302 = arith.constant 0 : i32
        %add3A_303 = arith.addi %mul3A_301, %add3A_302 : i32
        %get3A = arith.constant 2 : i32
        %get3A_304 = arith.index_cast %get3A : i32 to index
        %get3A_305 = arith.index_cast %add3A_303 : i32 to index
        %get3A_306 = arith.constant 0 : index
        %get3A_307 = tpu.vector_load %arg6[%get3A_304, %get3A_305, %get3A_306] {strides = array<i32>} : memref<4x128x128xf32, #tpu.memory_space<vmem>>, vector<1x1x16xf32>,
        %get3A_308 = vector.shape_cast %get3A_307 : vector<1x1x16xf32> to vector<16xf32>
        %swap3A = arith.constant 2 : i32
        %swap3A_309 = arith.index_cast %swap3A : i32 to index
        %swap3A_310 = arith.index_cast %scan3A_299 : i32 to index
        %swap3A_311 = arith.constant 0 : index
        %swap3A_312 = tpu.vector_load %arg7[%swap3A_309, %swap3A_310, %swap3A_311] {strides = array<i32>} : memref<4x64x128xf32, #tpu.memory_space<vmem>>, vector<1x1x16xf32>,
        %swap3A_313 = vector.shape_cast %swap3A_312 : vector<1x1x16xf32> to vector<16xf32>
        %swap3A_314 = vector.shape_cast %get3A_308 : vector<16xf32> to vector<1x1x16xf32>
        tpu.vector_store %arg7[%swap3A_309, %swap3A_310, %swap3A_311], %swap3A_314 {strides = array<i32>} : memref<4x64x128xf32, #tpu.memory_space<vmem>>, vector<1x1x16xf32>,
        %mul3A_315 = arith.constant 2 : i32
        %mul3A_316 = arith.muli %mul3A_315, %scan3A_299 : i32
        %add3A_317 = arith.constant 0 : i32
        %add3A_318 = arith.addi %mul3A_316, %add3A_317 : i32
        %get3A_319 = arith.constant 2 : i32
        %get3A_320 = arith.index_cast %get3A_319 : i32 to index
        %get3A_321 = arith.index_cast %add3A_318 : i32 to index
        %get3A_322 = arith.constant 16 : index
        %get3A_323 = tpu.vector_load %arg6[%get3A_320, %get3A_321, %get3A_322] {strides = array<i32>} : memref<4x128x128xf32, #tpu.memory_space<vmem>>, vector<1x1x16xf32>,
        %get3A_324 = vector.shape_cast %get3A_323 : vector<1x1x16xf32> to vector<16xf32>
        %swap3A_325 = arith.constant 2 : i32
        %swap3A_326 = arith.index_cast %swap3A_325 : i32 to index
        %swap3A_327 = arith.index_cast %scan3A_299 : i32 to index
        %swap3A_328 = arith.constant 16 : index
        %swap3A_329 = tpu.vector_load %arg7[%swap3A_326, %swap3A_327, %swap3A_328] {strides = array<i32>} : memref<4x64x128xf32, #tpu.memory_space<vmem>>, vector<1x1x16xf32>,
        %swap3A_330 = vector.shape_cast %swap3A_329 : vector<1x1x16xf32> to vector<16xf32>
        %swap3A_331 = vector.shape_cast %get3A_324 : vector<16xf32> to vector<1x1x16xf32>
        tpu.vector_store %arg7[%swap3A_326, %swap3A_327, %swap3A_328], %swap3A_331 {strides = array<i32>} : memref<4x64x128xf32, #tpu.memory_space<vmem>>, vector<1x1x16xf32>,
        %mul3A_332 = arith.constant 2 : i32
        %mul3A_333 = arith.muli %mul3A_332, %scan3A_299 : i32
        %add3A_334 = arith.constant 0 : i32
        %add3A_335 = arith.addi %mul3A_333, %add3A_334 : i32
        %get3A_336 = arith.constant 2 : i32
        %get3A_337 = arith.index_cast %get3A_336 : i32 to index
        %get3A_338 = arith.index_cast %add3A_335 : i32 to index
        %get3A_339 = arith.constant 32 : index
        %get3A_340 = tpu.vector_load %arg6[%get3A_337, %get3A_338, %get3A_339] {strides = array<i32>} : memref<4x128x128xf32, #tpu.memory_space<vmem>>, vector<1x1x16xf32>,
        %get3A_341 = vector.shape_cast %get3A_340 : vector<1x1x16xf32> to vector<16xf32>
        %swap3A_342 = arith.constant 2 : i32
        %swap3A_343 = arith.index_cast %swap3A_342 : i32 to index
        %swap3A_344 = arith.index_cast %scan3A_299 : i32 to index
        %swap3A_345 = arith.constant 32 : index
        %swap3A_346 = tpu.vector_load %arg7[%swap3A_343, %swap3A_344, %swap3A_345] {strides = array<i32>} : memref<4x64x128xf32, #tpu.memory_space<vmem>>, vector<1x1x16xf32>,
        %swap3A_347 = vector.shape_cast %swap3A_346 : vector<1x1x16xf32> to vector<16xf32>
        %swap3A_348 = vector.shape_cast %get3A_341 : vector<16xf32> to vector<1x1x16xf32>
        tpu.vector_store %arg7[%swap3A_343, %swap3A_344, %swap3A_345], %swap3A_348 {strides = array<i32>} : memref<4x64x128xf32, #tpu.memory_space<vmem>>, vector<1x1x16xf32>,
        %mul3A_349 = arith.constant 2 : i32
        %mul3A_350 = arith.muli %mul3A_349, %scan3A_299 : i32
        %add3A_351 = arith.constant 0 : i32
        %add3A_352 = arith.addi %mul3A_350, %add3A_351 : i32
        %get3A_353 = arith.constant 2 : i32
        %get3A_354 = arith.index_cast %get3A_353 : i32 to index
        %get3A_355 = arith.index_cast %add3A_352 : i32 to index
        %get3A_356 = arith.constant 48 : index
        %get3A_357 = tpu.vector_load %arg6[%get3A_354, %get3A_355, %get3A_356] {strides = array<i32>} : memref<4x128x128xf32, #tpu.memory_space<vmem>>, vector<1x1x16xf32>,
        %get3A_358 = vector.shape_cast %get3A_357 : vector<1x1x16xf32> to vector<16xf32>
        %swap3A_359 = arith.constant 2 : i32
        %swap3A_360 = arith.index_cast %swap3A_359 : i32 to index
        %swap3A_361 = arith.index_cast %scan3A_299 : i32 to index
        %swap3A_362 = arith.constant 48 : index
        %swap3A_363 = tpu.vector_load %arg7[%swap3A_360, %swap3A_361, %swap3A_362] {strides = array<i32>} : memref<4x64x128xf32, #tpu.memory_space<vmem>>, vector<1x1x16xf32>,
        %swap3A_364 = vector.shape_cast %swap3A_363 : vector<1x1x16xf32> to vector<16xf32>
        %swap3A_365 = vector.shape_cast %get3A_358 : vector<16xf32> to vector<1x1x16xf32>
        tpu.vector_store %arg7[%swap3A_360, %swap3A_361, %swap3A_362], %swap3A_365 {strides = array<i32>} : memref<4x64x128xf32, #tpu.memory_space<vmem>>, vector<1x1x16xf32>,
        %mul3A_366 = arith.constant 2 : i32
        %mul3A_367 = arith.muli %mul3A_366, %scan3A_299 : i32
        %add3A_368 = arith.constant 1 : i32
        %add3A_369 = arith.addi %mul3A_367, %add3A_368 : i32
        %get3A_370 = arith.constant 2 : i32
        %get3A_371 = arith.index_cast %get3A_370 : i32 to index
        %get3A_372 = arith.index_cast %add3A_369 : i32 to index
        %get3A_373 = arith.constant 0 : index
        %get3A_374 = tpu.vector_load %arg6[%get3A_371, %get3A_372, %get3A_373] {strides = array<i32>} : memref<4x128x128xf32, #tpu.memory_space<vmem>>, vector<1x1x16xf32>,
        %get3A_375 = vector.shape_cast %get3A_374 : vector<1x1x16xf32> to vector<16xf32>
        %swap3A_376 = arith.constant 2 : i32
        %swap3A_377 = arith.index_cast %swap3A_376 : i32 to index
        %swap3A_378 = arith.index_cast %scan3A_299 : i32 to index
        %swap3A_379 = arith.constant 64 : index
        %swap3A_380 = tpu.vector_load %arg7[%swap3A_377, %swap3A_378, %swap3A_379] {strides = array<i32>} : memref<4x64x128xf32, #tpu.memory_space<vmem>>, vector<1x1x16xf32>,
        %swap3A_381 = vector.shape_cast %swap3A_380 : vector<1x1x16xf32> to vector<16xf32>
        %swap3A_382 = vector.shape_cast %get3A_375 : vector<16xf32> to vector<1x1x16xf32>
        tpu.vector_store %arg7[%swap3A_377, %swap3A_378, %swap3A_379], %swap3A_382 {strides = array<i32>} : memref<4x64x128xf32, #tpu.memory_space<vmem>>, vector<1x1x16xf32>,
        %mul3A_383 = arith.constant 2 : i32
        %mul3A_384 = arith.muli %mul3A_383, %scan3A_299 : i32
        %add3A_385 = arith.constant 1 : i32
        %add3A_386 = arith.addi %mul3A_384, %add3A_385 : i32
        %get3A_387 = arith.constant 2 : i32
        %get3A_388 = arith.index_cast %get3A_387 : i32 to index
        %get3A_389 = arith.index_cast %add3A_386 : i32 to index
        %get3A_390 = arith.constant 16 : index
        %get3A_391 = tpu.vector_load %arg6[%get3A_388, %get3A_389, %get3A_390] {strides = array<i32>} : memref<4x128x128xf32, #tpu.memory_space<vmem>>, vector<1x1x16xf32>,
        %get3A_392 = vector.shape_cast %get3A_391 : vector<1x1x16xf32> to vector<16xf32>
        %swap3A_393 = arith.constant 2 : i32
        %swap3A_394 = arith.index_cast %swap3A_393 : i32 to index
        %swap3A_395 = arith.index_cast %scan3A_299 : i32 to index
        %swap3A_396 = arith.constant 80 : index
        %swap3A_397 = tpu.vector_load %arg7[%swap3A_394, %swap3A_395, %swap3A_396] {strides = array<i32>} : memref<4x64x128xf32, #tpu.memory_space<vmem>>, vector<1x1x16xf32>,
        %swap3A_398 = vector.shape_cast %swap3A_397 : vector<1x1x16xf32> to vector<16xf32>
        %swap3A_399 = vector.shape_cast %get3A_392 : vector<16xf32> to vector<1x1x16xf32>
        tpu.vector_store %arg7[%swap3A_394, %swap3A_395, %swap3A_396], %swap3A_399 {strides = array<i32>} : memref<4x64x128xf32, #tpu.memory_space<vmem>>, vector<1x1x16xf32>,
        %mul3A_400 = arith.constant 2 : i32
        %mul3A_401 = arith.muli %mul3A_400, %scan3A_299 : i32
        %add3A_402 = arith.constant 1 : i32
        %add3A_403 = arith.addi %mul3A_401, %add3A_402 : i32
        %get3A_404 = arith.constant 2 : i32
        %get3A_405 = arith.index_cast %get3A_404 : i32 to index
        %get3A_406 = arith.index_cast %add3A_403 : i32 to index
        %get3A_407 = arith.constant 32 : index
        %get3A_408 = tpu.vector_load %arg6[%get3A_405, %get3A_406, %get3A_407] {strides = array<i32>} : memref<4x128x128xf32, #tpu.memory_space<vmem>>, vector<1x1x16xf32>,
        %get3A_409 = vector.shape_cast %get3A_408 : vector<1x1x16xf32> to vector<16xf32>
        %swap3A_410 = arith.constant 2 : i32
        %swap3A_411 = arith.index_cast %swap3A_410 : i32 to index
        %swap3A_412 = arith.index_cast %scan3A_299 : i32 to index
        %swap3A_413 = arith.constant 96 : index
        %swap3A_414 = tpu.vector_load %arg7[%swap3A_411, %swap3A_412, %swap3A_413] {strides = array<i32>} : memref<4x64x128xf32, #tpu.memory_space<vmem>>, vector<1x1x16xf32>,
        %swap3A_415 = vector.shape_cast %swap3A_414 : vector<1x1x16xf32> to vector<16xf32>
        %swap3A_416 = vector.shape_cast %get3A_409 : vector<16xf32> to vector<1x1x16xf32>
        tpu.vector_store %arg7[%swap3A_411, %swap3A_412, %swap3A_413], %swap3A_416 {strides = array<i32>} : memref<4x64x128xf32, #tpu.memory_space<vmem>>, vector<1x1x16xf32>,
        %mul3A_417 = arith.constant 2 : i32
        %mul3A_418 = arith.muli %mul3A_417, %scan3A_299 : i32
        %add3A_419 = arith.constant 1 : i32
        %add3A_420 = arith.addi %mul3A_418, %add3A_419 : i32
        %get3A_421 = arith.constant 2 : i32
        %get3A_422 = arith.index_cast %get3A_421 : i32 to index
        %get3A_423 = arith.index_cast %add3A_420 : i32 to index
        %get3A_424 = arith.constant 48 : index
        %get3A_425 = tpu.vector_load %arg6[%get3A_422, %get3A_423, %get3A_424] {strides = array<i32>} : memref<4x128x128xf32, #tpu.memory_space<vmem>>, vector<1x1x16xf32>,
        %get3A_426 = vector.shape_cast %get3A_425 : vector<1x1x16xf32> to vector<16xf32>
        %swap3A_427 = arith.constant 2 : i32
        %swap3A_428 = arith.index_cast %swap3A_427 : i32 to index
        %swap3A_429 = arith.index_cast %scan3A_299 : i32 to index
        %swap3A_430 = arith.constant 112 : index
        %swap3A_431 = tpu.vector_load %arg7[%swap3A_428, %swap3A_429, %swap3A_430] {strides = array<i32>} : memref<4x64x128xf32, #tpu.memory_space<vmem>>, vector<1x1x16xf32>,
        %swap3A_432 = vector.shape_cast %swap3A_431 : vector<1x1x16xf32> to vector<16xf32>
        %swap3A_433 = vector.shape_cast %get3A_426 : vector<16xf32> to vector<1x1x16xf32>
        tpu.vector_store %arg7[%swap3A_428, %swap3A_429, %swap3A_430], %swap3A_433 {strides = array<i32>} : memref<4x64x128xf32, #tpu.memory_space<vmem>>, vector<1x1x16xf32>,
      }
      %scan3A_226 = arith.constant 64 : i32
      %mul3A_227 = arith.constant 4 : i32
      %mul3A_228 = arith.muli %scan3A_90, %mul3A_227 : i32
      %add3A_229 = arith.constant 2 : i32
      %add3A_230 = arith.addi %mul3A_228, %add3A_229 : i32
      %add3A_231 = arith.addi %mul3A_2, %add3A_230 : i32
      %mul3A_232 = arith.constant 64 : i32
      %mul3A_233 = arith.muli %add3A_231, %mul3A_232 : i32
      %dma_start3A_234 = arith.constant 2 : i32
      %dma_start3A_235 = arith.constant 0 : i32
      %dma_start3A_236 = arith.constant 0 : i32
      %dma_start3A_237 = tpu.memref_slice %arg7[%dma_start3A_234, %dma_start3A_235, %dma_start3A_236] : memref<4x64x128xf32, #tpu.memory_space<vmem>> -> memref<1x64x128xf32, #tpu.memory_space<vmem>>
      %dma_start3A_238 = tpu.memref_squeeze %dma_start3A_237 : memref<1x64x128xf32, #tpu.memory_space<vmem>> -> memref<64x128xf32, #tpu.memory_space<vmem>>
      %dma_start3A_239 = arith.constant 0 : i32
      %dma_start3A_240 = tpu.memref_slice %arg4[%mul3A_233, %dma_start3A_239] : memref<409600x128xf32, #tpu.memory_space<hbm>> -> memref<64x128xf32, #tpu.memory_space<hbm>>
      %dma_start3A_241 = arith.constant 0 : i32
      %dma_start3A_242 = tpu.memref_slice %arg4[%mul3A_233, %dma_start3A_241] : memref<409600x128xf32, #tpu.memory_space<hbm>> -> memref<64x128xf32, #tpu.memory_space<hbm>>
      %dma_start3A_243 = arith.constant 0 : i32
      %dma_start3A_244 = arith.constant 0 : i32
      %dma_start3A_245 = tpu.memref_slice %arg7[%dma_start3A_234, %dma_start3A_243, %dma_start3A_244] : memref<4x64x128xf32, #tpu.memory_space<vmem>> -> memref<1x64x128xf32, #tpu.memory_space<vmem>>
      %dma_start3A_246 = tpu.memref_squeeze %dma_start3A_245 : memref<1x64x128xf32, #tpu.memory_space<vmem>> -> memref<64x128xf32, #tpu.memory_space<vmem>>
      tpu.enqueue_dma source(%dma_start3A_246 : memref<64x128xf32, #tpu.memory_space<vmem>>) target(%dma_start3A_242 : memref<64x128xf32, #tpu.memory_space<hbm>>) target_semaphore(%arg14 : memref<!tpu.dma_semaphore, #tpu.memory_space<semaphore_mem>>)
      %lt3A = arith.constant 49 : i32
      %lt3A_247 = arith.cmpi slt, %scan3A_90, %lt3A : i32
      %convert_element_type3A_248 = arith.extui %lt3A_247 : i1 to i32
      %cond3A_249 = arith.constant 0 : i32
      %cond3A_250 = arith.cmpi ne, %convert_element_type3A_248, %cond3A_249 : i32
      scf.if %cond3A_250 {
        %add3A_299 = arith.constant 1 : i32
        %add3A_300 = arith.addi %scan3A_90, %add3A_299 : i32
        %mul3A_301 = arith.constant 4 : i32
        %mul3A_302 = arith.muli %add3A_300, %mul3A_301 : i32
        %add3A_303 = arith.constant 0 : i32
        %add3A_304 = arith.addi %mul3A_302, %add3A_303 : i32
        %dma_start3A_305 = arith.constant 0 : i32
        %dma_start3A_306 = arith.constant 0 : i32
        %dma_start3A_307 = arith.constant 0 : i32
        %dma_start3A_308 = tpu.memref_slice %arg6[%dma_start3A_305, %dma_start3A_306, %dma_start3A_307] : memref<4x128x128xf32, #tpu.memory_space<vmem>> -> memref<1x128x128xf32, #tpu.memory_space<vmem>>
        %dma_start3A_309 = tpu.memref_squeeze %dma_start3A_308 : memref<1x128x128xf32, #tpu.memory_space<vmem>> -> memref<128x128xf32, #tpu.memory_space<vmem>>
        %dma_start3A_310 = arith.constant 0 : i32
        %dma_start3A_311 = tpu.memref_slice %arg5[%add3A_304, %dma_start3A_310] : memref<200x128xi32, #tpu.memory_space<vmem>> -> memref<1x128xi32, #tpu.memory_space<vmem>>
        %dma_start3A_312 = tpu.memref_squeeze %dma_start3A_311 : memref<1x128xi32, #tpu.memory_space<vmem>> -> memref<128xi32, #tpu.memory_space<vmem>>
        %dma_start3A_313 = arith.constant 0 : i32
        %dma_start3A_314 = arith.constant 0 : i32
        %dma_start3A_315 = tpu.memref_slice %arg2[%dma_start3A_313, %dma_start3A_314] : memref<100200x128xf32, #tpu.memory_space<hbm>> -> memref<100200x128xf32, #tpu.memory_space<hbm>>
        tpu.enqueue_indirect_dma source(%dma_start3A_315 : memref<100200x128xf32, #tpu.memory_space<hbm>>) target(%dma_start3A_309 : memref<128x128xf32, #tpu.memory_space<vmem>>) offsets(%dma_start3A_312 : memref<128xi32, #tpu.memory_space<vmem>>) semaphore(%arg8 : memref<!tpu.dma_semaphore, #tpu.memory_space<semaphore_mem>>)
      } else {
      }
      %dma_wait3A_251 = arith.constant 0 : i32
      %dma_wait3A_252 = arith.constant 3 : i32
      %dma_wait3A_253 = arith.constant 0 : i32
      %dma_wait3A_254 = arith.constant 0 : i32
      %dma_wait3A_255 = tpu.memref_slice %arg6[%dma_wait3A_252, %dma_wait3A_253, %dma_wait3A_254] : memref<4x128x128xf32, #tpu.memory_space<vmem>> -> memref<1x128x128xf32, #tpu.memory_space<vmem>>
      %dma_wait3A_256 = tpu.memref_squeeze %dma_wait3A_255 : memref<1x128x128xf32, #tpu.memory_space<vmem>> -> memref<128x128xf32, #tpu.memory_space<vmem>>
      %dma_wait3A_257 = arith.constant 0 : i32
      %dma_wait3A_258 = tpu.memref_slice %arg5[%dma_wait3A_251, %dma_wait3A_257] : memref<200x128xi32, #tpu.memory_space<vmem>> -> memref<1x128xi32, #tpu.memory_space<vmem>>
      %dma_wait3A_259 = tpu.memref_squeeze %dma_wait3A_258 : memref<1x128xi32, #tpu.memory_space<vmem>> -> memref<128xi32, #tpu.memory_space<vmem>>
      %dma_wait3A_260 = arith.constant 0 : i32
      %dma_wait3A_261 = arith.constant 0 : i32
      %dma_wait3A_262 = tpu.memref_slice %arg2[%dma_wait3A_260, %dma_wait3A_261] : memref<100200x128xf32, #tpu.memory_space<hbm>> -> memref<100200x128xf32, #tpu.memory_space<hbm>>
      tpu.wait_indirect_dma semaphore(%arg11 : memref<!tpu.dma_semaphore, #tpu.memory_space<semaphore_mem>>) src(%dma_wait3A_262 : memref<100200x128xf32, #tpu.memory_space<hbm>>) dst(%dma_wait3A_256 : memref<128x128xf32, #tpu.memory_space<vmem>>)
      %gt3A_263 = arith.constant 0 : i32
      %gt3A_264 = arith.cmpi sgt, %scan3A_90, %gt3A_263 : i32
      %convert_element_type3A_265 = arith.extui %gt3A_264 : i1 to i32
      %cond3A_266 = arith.constant 0 : i32
      %cond3A_267 = arith.cmpi ne, %convert_element_type3A_265, %cond3A_266 : i32
      scf.if %cond3A_267 {
        %mul3A_299 = arith.constant 64 : i32
        %mul3A_300 = arith.muli %mul3A_2, %mul3A_299 : i32
        %dma_wait3A_301 = arith.constant 3 : i32
        %dma_wait3A_302 = arith.constant 0 : i32
        %dma_wait3A_303 = arith.constant 0 : i32
        %dma_wait3A_304 = tpu.memref_slice %arg7[%dma_wait3A_301, %dma_wait3A_302, %dma_wait3A_303] : memref<4x64x128xf32, #tpu.memory_space<vmem>> -> memref<1x64x128xf32, #tpu.memory_space<vmem>>
        %dma_wait3A_305 = tpu.memref_squeeze %dma_wait3A_304 : memref<1x64x128xf32, #tpu.memory_space<vmem>> -> memref<64x128xf32, #tpu.memory_space<vmem>>
        %dma_wait3A_306 = arith.constant 0 : i32
        %dma_wait3A_307 = tpu.memref_slice %arg4[%mul3A_300, %dma_wait3A_306] : memref<409600x128xf32, #tpu.memory_space<hbm>> -> memref<64x128xf32, #tpu.memory_space<hbm>>
        %dma_wait3A_308 = arith.constant 0 : i32
        %dma_wait3A_309 = tpu.memref_slice %arg4[%mul3A_300, %dma_wait3A_308] : memref<409600x128xf32, #tpu.memory_space<hbm>> -> memref<64x128xf32, #tpu.memory_space<hbm>>
        %dma_wait3A_310 = arith.constant 0 : i32
        %dma_wait3A_311 = arith.constant 0 : i32
        %dma_wait3A_312 = tpu.memref_slice %arg7[%dma_wait3A_301, %dma_wait3A_310, %dma_wait3A_311] : memref<4x64x128xf32, #tpu.memory_space<vmem>> -> memref<1x64x128xf32, #tpu.memory_space<vmem>>
        %dma_wait3A_313 = tpu.memref_squeeze %dma_wait3A_312 : memref<1x64x128xf32, #tpu.memory_space<vmem>> -> memref<64x128xf32, #tpu.memory_space<vmem>>
        tpu.wait_dma2 semaphore(%arg15 : memref<!tpu.dma_semaphore, #tpu.memory_space<semaphore_mem>>) src(%dma_wait3A_313 : memref<64x128xf32, #tpu.memory_space<vmem>>) dst(%dma_wait3A_309 : memref<64x128xf32, #tpu.memory_space<hbm>>)
      } else {
      }
      %scan3A_268 = arith.constant 0 : i32
      %scan3A_269 = arith.constant 0 : i32
      %scan3A_270 = arith.constant 64 : i32
      %scan3A_271 = arith.addi %scan3A_269, %scan3A_270 : i32
      %scan3A_272 = arith.constant 1 : i32
      scf.for %scan3A_299 = %scan3A_269 to %scan3A_271 step %scan3A_272  : i32 {
        %mul3A_300 = arith.constant 2 : i32
        %mul3A_301 = arith.muli %mul3A_300, %scan3A_299 : i32
        %add3A_302 = arith.constant 0 : i32
        %add3A_303 = arith.addi %mul3A_301, %add3A_302 : i32
        %get3A = arith.constant 3 : i32
        %get3A_304 = arith.index_cast %get3A : i32 to index
        %get3A_305 = arith.index_cast %add3A_303 : i32 to index
        %get3A_306 = arith.constant 0 : index
        %get3A_307 = tpu.vector_load %arg6[%get3A_304, %get3A_305, %get3A_306] {strides = array<i32>} : memref<4x128x128xf32, #tpu.memory_space<vmem>>, vector<1x1x16xf32>,
        %get3A_308 = vector.shape_cast %get3A_307 : vector<1x1x16xf32> to vector<16xf32>
        %swap3A = arith.constant 3 : i32
        %swap3A_309 = arith.index_cast %swap3A : i32 to index
        %swap3A_310 = arith.index_cast %scan3A_299 : i32 to index
        %swap3A_311 = arith.constant 0 : index
        %swap3A_312 = tpu.vector_load %arg7[%swap3A_309, %swap3A_310, %swap3A_311] {strides = array<i32>} : memref<4x64x128xf32, #tpu.memory_space<vmem>>, vector<1x1x16xf32>,
        %swap3A_313 = vector.shape_cast %swap3A_312 : vector<1x1x16xf32> to vector<16xf32>
        %swap3A_314 = vector.shape_cast %get3A_308 : vector<16xf32> to vector<1x1x16xf32>
        tpu.vector_store %arg7[%swap3A_309, %swap3A_310, %swap3A_311], %swap3A_314 {strides = array<i32>} : memref<4x64x128xf32, #tpu.memory_space<vmem>>, vector<1x1x16xf32>,
        %mul3A_315 = arith.constant 2 : i32
        %mul3A_316 = arith.muli %mul3A_315, %scan3A_299 : i32
        %add3A_317 = arith.constant 0 : i32
        %add3A_318 = arith.addi %mul3A_316, %add3A_317 : i32
        %get3A_319 = arith.constant 3 : i32
        %get3A_320 = arith.index_cast %get3A_319 : i32 to index
        %get3A_321 = arith.index_cast %add3A_318 : i32 to index
        %get3A_322 = arith.constant 16 : index
        %get3A_323 = tpu.vector_load %arg6[%get3A_320, %get3A_321, %get3A_322] {strides = array<i32>} : memref<4x128x128xf32, #tpu.memory_space<vmem>>, vector<1x1x16xf32>,
        %get3A_324 = vector.shape_cast %get3A_323 : vector<1x1x16xf32> to vector<16xf32>
        %swap3A_325 = arith.constant 3 : i32
        %swap3A_326 = arith.index_cast %swap3A_325 : i32 to index
        %swap3A_327 = arith.index_cast %scan3A_299 : i32 to index
        %swap3A_328 = arith.constant 16 : index
        %swap3A_329 = tpu.vector_load %arg7[%swap3A_326, %swap3A_327, %swap3A_328] {strides = array<i32>} : memref<4x64x128xf32, #tpu.memory_space<vmem>>, vector<1x1x16xf32>,
        %swap3A_330 = vector.shape_cast %swap3A_329 : vector<1x1x16xf32> to vector<16xf32>
        %swap3A_331 = vector.shape_cast %get3A_324 : vector<16xf32> to vector<1x1x16xf32>
        tpu.vector_store %arg7[%swap3A_326, %swap3A_327, %swap3A_328], %swap3A_331 {strides = array<i32>} : memref<4x64x128xf32, #tpu.memory_space<vmem>>, vector<1x1x16xf32>,
        %mul3A_332 = arith.constant 2 : i32
        %mul3A_333 = arith.muli %mul3A_332, %scan3A_299 : i32
        %add3A_334 = arith.constant 0 : i32
        %add3A_335 = arith.addi %mul3A_333, %add3A_334 : i32
        %get3A_336 = arith.constant 3 : i32
        %get3A_337 = arith.index_cast %get3A_336 : i32 to index
        %get3A_338 = arith.index_cast %add3A_335 : i32 to index
        %get3A_339 = arith.constant 32 : index
        %get3A_340 = tpu.vector_load %arg6[%get3A_337, %get3A_338, %get3A_339] {strides = array<i32>} : memref<4x128x128xf32, #tpu.memory_space<vmem>>, vector<1x1x16xf32>,
        %get3A_341 = vector.shape_cast %get3A_340 : vector<1x1x16xf32> to vector<16xf32>
        %swap3A_342 = arith.constant 3 : i32
        %swap3A_343 = arith.index_cast %swap3A_342 : i32 to index
        %swap3A_344 = arith.index_cast %scan3A_299 : i32 to index
        %swap3A_345 = arith.constant 32 : index
        %swap3A_346 = tpu.vector_load %arg7[%swap3A_343, %swap3A_344, %swap3A_345] {strides = array<i32>} : memref<4x64x128xf32, #tpu.memory_space<vmem>>, vector<1x1x16xf32>,
        %swap3A_347 = vector.shape_cast %swap3A_346 : vector<1x1x16xf32> to vector<16xf32>
        %swap3A_348 = vector.shape_cast %get3A_341 : vector<16xf32> to vector<1x1x16xf32>
        tpu.vector_store %arg7[%swap3A_343, %swap3A_344, %swap3A_345], %swap3A_348 {strides = array<i32>} : memref<4x64x128xf32, #tpu.memory_space<vmem>>, vector<1x1x16xf32>,
        %mul3A_349 = arith.constant 2 : i32
        %mul3A_350 = arith.muli %mul3A_349, %scan3A_299 : i32
        %add3A_351 = arith.constant 0 : i32
        %add3A_352 = arith.addi %mul3A_350, %add3A_351 : i32
        %get3A_353 = arith.constant 3 : i32
        %get3A_354 = arith.index_cast %get3A_353 : i32 to index
        %get3A_355 = arith.index_cast %add3A_352 : i32 to index
        %get3A_356 = arith.constant 48 : index
        %get3A_357 = tpu.vector_load %arg6[%get3A_354, %get3A_355, %get3A_356] {strides = array<i32>} : memref<4x128x128xf32, #tpu.memory_space<vmem>>, vector<1x1x16xf32>,
        %get3A_358 = vector.shape_cast %get3A_357 : vector<1x1x16xf32> to vector<16xf32>
        %swap3A_359 = arith.constant 3 : i32
        %swap3A_360 = arith.index_cast %swap3A_359 : i32 to index
        %swap3A_361 = arith.index_cast %scan3A_299 : i32 to index
        %swap3A_362 = arith.constant 48 : index
        %swap3A_363 = tpu.vector_load %arg7[%swap3A_360, %swap3A_361, %swap3A_362] {strides = array<i32>} : memref<4x64x128xf32, #tpu.memory_space<vmem>>, vector<1x1x16xf32>,
        %swap3A_364 = vector.shape_cast %swap3A_363 : vector<1x1x16xf32> to vector<16xf32>
        %swap3A_365 = vector.shape_cast %get3A_358 : vector<16xf32> to vector<1x1x16xf32>
        tpu.vector_store %arg7[%swap3A_360, %swap3A_361, %swap3A_362], %swap3A_365 {strides = array<i32>} : memref<4x64x128xf32, #tpu.memory_space<vmem>>, vector<1x1x16xf32>,
        %mul3A_366 = arith.constant 2 : i32
        %mul3A_367 = arith.muli %mul3A_366, %scan3A_299 : i32
        %add3A_368 = arith.constant 1 : i32
        %add3A_369 = arith.addi %mul3A_367, %add3A_368 : i32
        %get3A_370 = arith.constant 3 : i32
        %get3A_371 = arith.index_cast %get3A_370 : i32 to index
        %get3A_372 = arith.index_cast %add3A_369 : i32 to index
        %get3A_373 = arith.constant 0 : index
        %get3A_374 = tpu.vector_load %arg6[%get3A_371, %get3A_372, %get3A_373] {strides = array<i32>} : memref<4x128x128xf32, #tpu.memory_space<vmem>>, vector<1x1x16xf32>,
        %get3A_375 = vector.shape_cast %get3A_374 : vector<1x1x16xf32> to vector<16xf32>
        %swap3A_376 = arith.constant 3 : i32
        %swap3A_377 = arith.index_cast %swap3A_376 : i32 to index
        %swap3A_378 = arith.index_cast %scan3A_299 : i32 to index
        %swap3A_379 = arith.constant 64 : index
        %swap3A_380 = tpu.vector_load %arg7[%swap3A_377, %swap3A_378, %swap3A_379] {strides = array<i32>} : memref<4x64x128xf32, #tpu.memory_space<vmem>>, vector<1x1x16xf32>,
        %swap3A_381 = vector.shape_cast %swap3A_380 : vector<1x1x16xf32> to vector<16xf32>
        %swap3A_382 = vector.shape_cast %get3A_375 : vector<16xf32> to vector<1x1x16xf32>
        tpu.vector_store %arg7[%swap3A_377, %swap3A_378, %swap3A_379], %swap3A_382 {strides = array<i32>} : memref<4x64x128xf32, #tpu.memory_space<vmem>>, vector<1x1x16xf32>,
        %mul3A_383 = arith.constant 2 : i32
        %mul3A_384 = arith.muli %mul3A_383, %scan3A_299 : i32
        %add3A_385 = arith.constant 1 : i32
        %add3A_386 = arith.addi %mul3A_384, %add3A_385 : i32
        %get3A_387 = arith.constant 3 : i32
        %get3A_388 = arith.index_cast %get3A_387 : i32 to index
        %get3A_389 = arith.index_cast %add3A_386 : i32 to index
        %get3A_390 = arith.constant 16 : index
        %get3A_391 = tpu.vector_load %arg6[%get3A_388, %get3A_389, %get3A_390] {strides = array<i32>} : memref<4x128x128xf32, #tpu.memory_space<vmem>>, vector<1x1x16xf32>,
        %get3A_392 = vector.shape_cast %get3A_391 : vector<1x1x16xf32> to vector<16xf32>
        %swap3A_393 = arith.constant 3 : i32
        %swap3A_394 = arith.index_cast %swap3A_393 : i32 to index
        %swap3A_395 = arith.index_cast %scan3A_299 : i32 to index
        %swap3A_396 = arith.constant 80 : index
        %swap3A_397 = tpu.vector_load %arg7[%swap3A_394, %swap3A_395, %swap3A_396] {strides = array<i32>} : memref<4x64x128xf32, #tpu.memory_space<vmem>>, vector<1x1x16xf32>,
        %swap3A_398 = vector.shape_cast %swap3A_397 : vector<1x1x16xf32> to vector<16xf32>
        %swap3A_399 = vector.shape_cast %get3A_392 : vector<16xf32> to vector<1x1x16xf32>
        tpu.vector_store %arg7[%swap3A_394, %swap3A_395, %swap3A_396], %swap3A_399 {strides = array<i32>} : memref<4x64x128xf32, #tpu.memory_space<vmem>>, vector<1x1x16xf32>,
        %mul3A_400 = arith.constant 2 : i32
        %mul3A_401 = arith.muli %mul3A_400, %scan3A_299 : i32
        %add3A_402 = arith.constant 1 : i32
        %add3A_403 = arith.addi %mul3A_401, %add3A_402 : i32
        %get3A_404 = arith.constant 3 : i32
        %get3A_405 = arith.index_cast %get3A_404 : i32 to index
        %get3A_406 = arith.index_cast %add3A_403 : i32 to index
        %get3A_407 = arith.constant 32 : index
        %get3A_408 = tpu.vector_load %arg6[%get3A_405, %get3A_406, %get3A_407] {strides = array<i32>} : memref<4x128x128xf32, #tpu.memory_space<vmem>>, vector<1x1x16xf32>,
        %get3A_409 = vector.shape_cast %get3A_408 : vector<1x1x16xf32> to vector<16xf32>
        %swap3A_410 = arith.constant 3 : i32
        %swap3A_411 = arith.index_cast %swap3A_410 : i32 to index
        %swap3A_412 = arith.index_cast %scan3A_299 : i32 to index
        %swap3A_413 = arith.constant 96 : index
        %swap3A_414 = tpu.vector_load %arg7[%swap3A_411, %swap3A_412, %swap3A_413] {strides = array<i32>} : memref<4x64x128xf32, #tpu.memory_space<vmem>>, vector<1x1x16xf32>,
        %swap3A_415 = vector.shape_cast %swap3A_414 : vector<1x1x16xf32> to vector<16xf32>
        %swap3A_416 = vector.shape_cast %get3A_409 : vector<16xf32> to vector<1x1x16xf32>
        tpu.vector_store %arg7[%swap3A_411, %swap3A_412, %swap3A_413], %swap3A_416 {strides = array<i32>} : memref<4x64x128xf32, #tpu.memory_space<vmem>>, vector<1x1x16xf32>,
        %mul3A_417 = arith.constant 2 : i32
        %mul3A_418 = arith.muli %mul3A_417, %scan3A_299 : i32
        %add3A_419 = arith.constant 1 : i32
        %add3A_420 = arith.addi %mul3A_418, %add3A_419 : i32
        %get3A_421 = arith.constant 3 : i32
        %get3A_422 = arith.index_cast %get3A_421 : i32 to index
        %get3A_423 = arith.index_cast %add3A_420 : i32 to index
        %get3A_424 = arith.constant 48 : index
        %get3A_425 = tpu.vector_load %arg6[%get3A_422, %get3A_423, %get3A_424] {strides = array<i32>} : memref<4x128x128xf32, #tpu.memory_space<vmem>>, vector<1x1x16xf32>,
        %get3A_426 = vector.shape_cast %get3A_425 : vector<1x1x16xf32> to vector<16xf32>
        %swap3A_427 = arith.constant 3 : i32
        %swap3A_428 = arith.index_cast %swap3A_427 : i32 to index
        %swap3A_429 = arith.index_cast %scan3A_299 : i32 to index
        %swap3A_430 = arith.constant 112 : index
        %swap3A_431 = tpu.vector_load %arg7[%swap3A_428, %swap3A_429, %swap3A_430] {strides = array<i32>} : memref<4x64x128xf32, #tpu.memory_space<vmem>>, vector<1x1x16xf32>,
        %swap3A_432 = vector.shape_cast %swap3A_431 : vector<1x1x16xf32> to vector<16xf32>
        %swap3A_433 = vector.shape_cast %get3A_426 : vector<16xf32> to vector<1x1x16xf32>
        tpu.vector_store %arg7[%swap3A_428, %swap3A_429, %swap3A_430], %swap3A_433 {strides = array<i32>} : memref<4x64x128xf32, #tpu.memory_space<vmem>>, vector<1x1x16xf32>,
      }
      %scan3A_273 = arith.constant 64 : i32
      %mul3A_274 = arith.constant 4 : i32
      %mul3A_275 = arith.muli %scan3A_90, %mul3A_274 : i32
      %add3A_276 = arith.constant 3 : i32
      %add3A_277 = arith.addi %mul3A_275, %add3A_276 : i32
      %add3A_278 = arith.addi %mul3A_2, %add3A_277 : i32
      %mul3A_279 = arith.constant 64 : i32
      %mul3A_280 = arith.muli %add3A_278, %mul3A_279 : i32
      %dma_start3A_281 = arith.constant 3 : i32
      %dma_start3A_282 = arith.constant 0 : i32
      %dma_start3A_283 = arith.constant 0 : i32
      %dma_start3A_284 = tpu.memref_slice %arg7[%dma_start3A_281, %dma_start3A_282, %dma_start3A_283] : memref<4x64x128xf32, #tpu.memory_space<vmem>> -> memref<1x64x128xf32, #tpu.memory_space<vmem>>
      %dma_start3A_285 = tpu.memref_squeeze %dma_start3A_284 : memref<1x64x128xf32, #tpu.memory_space<vmem>> -> memref<64x128xf32, #tpu.memory_space<vmem>>
      %dma_start3A_286 = arith.constant 0 : i32
      %dma_start3A_287 = tpu.memref_slice %arg4[%mul3A_280, %dma_start3A_286] : memref<409600x128xf32, #tpu.memory_space<hbm>> -> memref<64x128xf32, #tpu.memory_space<hbm>>
      %dma_start3A_288 = arith.constant 0 : i32
      %dma_start3A_289 = tpu.memref_slice %arg4[%mul3A_280, %dma_start3A_288] : memref<409600x128xf32, #tpu.memory_space<hbm>> -> memref<64x128xf32, #tpu.memory_space<hbm>>
      %dma_start3A_290 = arith.constant 0 : i32
      %dma_start3A_291 = arith.constant 0 : i32
      %dma_start3A_292 = tpu.memref_slice %arg7[%dma_start3A_281, %dma_start3A_290, %dma_start3A_291] : memref<4x64x128xf32, #tpu.memory_space<vmem>> -> memref<1x64x128xf32, #tpu.memory_space<vmem>>
      %dma_start3A_293 = tpu.memref_squeeze %dma_start3A_292 : memref<1x64x128xf32, #tpu.memory_space<vmem>> -> memref<64x128xf32, #tpu.memory_space<vmem>>
      tpu.enqueue_dma source(%dma_start3A_293 : memref<64x128xf32, #tpu.memory_space<vmem>>) target(%dma_start3A_289 : memref<64x128xf32, #tpu.memory_space<hbm>>) target_semaphore(%arg15 : memref<!tpu.dma_semaphore, #tpu.memory_space<semaphore_mem>>)
      %lt3A_294 = arith.constant 49 : i32
      %lt3A_295 = arith.cmpi slt, %scan3A_90, %lt3A_294 : i32
      %convert_element_type3A_296 = arith.extui %lt3A_295 : i1 to i32
      %cond3A_297 = arith.constant 0 : i32
      %cond3A_298 = arith.cmpi ne, %convert_element_type3A_296, %cond3A_297 : i32
      scf.if %cond3A_298 {
        %add3A_299 = arith.constant 1 : i32
        %add3A_300 = arith.addi %scan3A_90, %add3A_299 : i32
        %mul3A_301 = arith.constant 4 : i32
        %mul3A_302 = arith.muli %add3A_300, %mul3A_301 : i32
        %add3A_303 = arith.constant 1 : i32
        %add3A_304 = arith.addi %mul3A_302, %add3A_303 : i32
        %dma_start3A_305 = arith.constant 1 : i32
        %dma_start3A_306 = arith.constant 0 : i32
        %dma_start3A_307 = arith.constant 0 : i32
        %dma_start3A_308 = tpu.memref_slice %arg6[%dma_start3A_305, %dma_start3A_306, %dma_start3A_307] : memref<4x128x128xf32, #tpu.memory_space<vmem>> -> memref<1x128x128xf32, #tpu.memory_space<vmem>>
        %dma_start3A_309 = tpu.memref_squeeze %dma_start3A_308 : memref<1x128x128xf32, #tpu.memory_space<vmem>> -> memref<128x128xf32, #tpu.memory_space<vmem>>
        %dma_start3A_310 = arith.constant 0 : i32
        %dma_start3A_311 = tpu.memref_slice %arg5[%add3A_304, %dma_start3A_310] : memref<200x128xi32, #tpu.memory_space<vmem>> -> memref<1x128xi32, #tpu.memory_space<vmem>>
        %dma_start3A_312 = tpu.memref_squeeze %dma_start3A_311 : memref<1x128xi32, #tpu.memory_space<vmem>> -> memref<128xi32, #tpu.memory_space<vmem>>
        %dma_start3A_313 = arith.constant 0 : i32
        %dma_start3A_314 = arith.constant 0 : i32
        %dma_start3A_315 = tpu.memref_slice %arg2[%dma_start3A_313, %dma_start3A_314] : memref<100200x128xf32, #tpu.memory_space<hbm>> -> memref<100200x128xf32, #tpu.memory_space<hbm>>
        tpu.enqueue_indirect_dma source(%dma_start3A_315 : memref<100200x128xf32, #tpu.memory_space<hbm>>) target(%dma_start3A_309 : memref<128x128xf32, #tpu.memory_space<vmem>>) offsets(%dma_start3A_312 : memref<128xi32, #tpu.memory_space<vmem>>) semaphore(%arg9 : memref<!tpu.dma_semaphore, #tpu.memory_space<semaphore_mem>>)
      } else {
      }
    }
    %scan3A_30 = arith.constant 50 : i32
    %mul3A_31 = arith.constant 64 : i32
    %mul3A_32 = arith.muli %mul3A_2, %mul3A_31 : i32
    %dma_wait3A = arith.constant 0 : i32
    %dma_wait3A_33 = arith.constant 0 : i32
    %dma_wait3A_34 = arith.constant 0 : i32
    %dma_wait3A_35 = tpu.memref_slice %arg7[%dma_wait3A, %dma_wait3A_33, %dma_wait3A_34] : memref<4x64x128xf32, #tpu.memory_space<vmem>> -> memref<1x64x128xf32, #tpu.memory_space<vmem>>
    %dma_wait3A_36 = tpu.memref_squeeze %dma_wait3A_35 : memref<1x64x128xf32, #tpu.memory_space<vmem>> -> memref<64x128xf32, #tpu.memory_space<vmem>>
    %dma_wait3A_37 = arith.constant 0 : i32
    %dma_wait3A_38 = tpu.memref_slice %arg4[%mul3A_32, %dma_wait3A_37] : memref<409600x128xf32, #tpu.memory_space<hbm>> -> memref<64x128xf32, #tpu.memory_space<hbm>>
    %dma_wait3A_39 = arith.constant 0 : i32
    %dma_wait3A_40 = tpu.memref_slice %arg4[%mul3A_32, %dma_wait3A_39] : memref<409600x128xf32, #tpu.memory_space<hbm>> -> memref<64x128xf32, #tpu.memory_space<hbm>>
    %dma_wait3A_41 = arith.constant 0 : i32
    %dma_wait3A_42 = arith.constant 0 : i32
    %dma_wait3A_43 = tpu.memref_slice %arg7[%dma_wait3A, %dma_wait3A_41, %dma_wait3A_42] : memref<4x64x128xf32, #tpu.memory_space<vmem>> -> memref<1x64x128xf32, #tpu.memory_space<vmem>>
    %dma_wait3A_44 = tpu.memref_squeeze %dma_wait3A_43 : memref<1x64x128xf32, #tpu.memory_space<vmem>> -> memref<64x128xf32, #tpu.memory_space<vmem>>
    tpu.wait_dma2 semaphore(%arg12 : memref<!tpu.dma_semaphore, #tpu.memory_space<semaphore_mem>>) src(%dma_wait3A_44 : memref<64x128xf32, #tpu.memory_space<vmem>>) dst(%dma_wait3A_40 : memref<64x128xf32, #tpu.memory_space<hbm>>)
    %mul3A_45 = arith.constant 64 : i32
    %mul3A_46 = arith.muli %mul3A_2, %mul3A_45 : i32
    %dma_wait3A_47 = arith.constant 1 : i32
    %dma_wait3A_48 = arith.constant 0 : i32
    %dma_wait3A_49 = arith.constant 0 : i32
    %dma_wait3A_50 = tpu.memref_slice %arg7[%dma_wait3A_47, %dma_wait3A_48, %dma_wait3A_49] : memref<4x64x128xf32, #tpu.memory_space<vmem>> -> memref<1x64x128xf32, #tpu.memory_space<vmem>>
    %dma_wait3A_51 = tpu.memref_squeeze %dma_wait3A_50 : memref<1x64x128xf32, #tpu.memory_space<vmem>> -> memref<64x128xf32, #tpu.memory_space<vmem>>
    %dma_wait3A_52 = arith.constant 0 : i32
    %dma_wait3A_53 = tpu.memref_slice %arg4[%mul3A_46, %dma_wait3A_52] : memref<409600x128xf32, #tpu.memory_space<hbm>> -> memref<64x128xf32, #tpu.memory_space<hbm>>
    %dma_wait3A_54 = arith.constant 0 : i32
    %dma_wait3A_55 = tpu.memref_slice %arg4[%mul3A_46, %dma_wait3A_54] : memref<409600x128xf32, #tpu.memory_space<hbm>> -> memref<64x128xf32, #tpu.memory_space<hbm>>
    %dma_wait3A_56 = arith.constant 0 : i32
    %dma_wait3A_57 = arith.constant 0 : i32
    %dma_wait3A_58 = tpu.memref_slice %arg7[%dma_wait3A_47, %dma_wait3A_56, %dma_wait3A_57] : memref<4x64x128xf32, #tpu.memory_space<vmem>> -> memref<1x64x128xf32, #tpu.memory_space<vmem>>
    %dma_wait3A_59 = tpu.memref_squeeze %dma_wait3A_58 : memref<1x64x128xf32, #tpu.memory_space<vmem>> -> memref<64x128xf32, #tpu.memory_space<vmem>>
    tpu.wait_dma2 semaphore(%arg13 : memref<!tpu.dma_semaphore, #tpu.memory_space<semaphore_mem>>) src(%dma_wait3A_59 : memref<64x128xf32, #tpu.memory_space<vmem>>) dst(%dma_wait3A_55 : memref<64x128xf32, #tpu.memory_space<hbm>>)
    %mul3A_60 = arith.constant 64 : i32
    %mul3A_61 = arith.muli %mul3A_2, %mul3A_60 : i32
    %dma_wait3A_62 = arith.constant 2 : i32
    %dma_wait3A_63 = arith.constant 0 : i32
    %dma_wait3A_64 = arith.constant 0 : i32
    %dma_wait3A_65 = tpu.memref_slice %arg7[%dma_wait3A_62, %dma_wait3A_63, %dma_wait3A_64] : memref<4x64x128xf32, #tpu.memory_space<vmem>> -> memref<1x64x128xf32, #tpu.memory_space<vmem>>
    %dma_wait3A_66 = tpu.memref_squeeze %dma_wait3A_65 : memref<1x64x128xf32, #tpu.memory_space<vmem>> -> memref<64x128xf32, #tpu.memory_space<vmem>>
    %dma_wait3A_67 = arith.constant 0 : i32
    %dma_wait3A_68 = tpu.memref_slice %arg4[%mul3A_61, %dma_wait3A_67] : memref<409600x128xf32, #tpu.memory_space<hbm>> -> memref<64x128xf32, #tpu.memory_space<hbm>>
    %dma_wait3A_69 = arith.constant 0 : i32
    %dma_wait3A_70 = tpu.memref_slice %arg4[%mul3A_61, %dma_wait3A_69] : memref<409600x128xf32, #tpu.memory_space<hbm>> -> memref<64x128xf32, #tpu.memory_space<hbm>>
    %dma_wait3A_71 = arith.constant 0 : i32
    %dma_wait3A_72 = arith.constant 0 : i32
    %dma_wait3A_73 = tpu.memref_slice %arg7[%dma_wait3A_62, %dma_wait3A_71, %dma_wait3A_72] : memref<4x64x128xf32, #tpu.memory_space<vmem>> -> memref<1x64x128xf32, #tpu.memory_space<vmem>>
    %dma_wait3A_74 = tpu.memref_squeeze %dma_wait3A_73 : memref<1x64x128xf32, #tpu.memory_space<vmem>> -> memref<64x128xf32, #tpu.memory_space<vmem>>
    tpu.wait_dma2 semaphore(%arg14 : memref<!tpu.dma_semaphore, #tpu.memory_space<semaphore_mem>>) src(%dma_wait3A_74 : memref<64x128xf32, #tpu.memory_space<vmem>>) dst(%dma_wait3A_70 : memref<64x128xf32, #tpu.memory_space<hbm>>)
    %mul3A_75 = arith.constant 64 : i32
    %mul3A_76 = arith.muli %mul3A_2, %mul3A_75 : i32
    %dma_wait3A_77 = arith.constant 3 : i32
    %dma_wait3A_78 = arith.constant 0 : i32
    %dma_wait3A_79 = arith.constant 0 : i32
    %dma_wait3A_80 = tpu.memref_slice %arg7[%dma_wait3A_77, %dma_wait3A_78, %dma_wait3A_79] : memref<4x64x128xf32, #tpu.memory_space<vmem>> -> memref<1x64x128xf32, #tpu.memory_space<vmem>>
    %dma_wait3A_81 = tpu.memref_squeeze %dma_wait3A_80 : memref<1x64x128xf32, #tpu.memory_space<vmem>> -> memref<64x128xf32, #tpu.memory_space<vmem>>
    %dma_wait3A_82 = arith.constant 0 : i32
    %dma_wait3A_83 = tpu.memref_slice %arg4[%mul3A_76, %dma_wait3A_82] : memref<409600x128xf32, #tpu.memory_space<hbm>> -> memref<64x128xf32, #tpu.memory_space<hbm>>
    %dma_wait3A_84 = arith.constant 0 : i32
    %dma_wait3A_85 = tpu.memref_slice %arg4[%mul3A_76, %dma_wait3A_84] : memref<409600x128xf32, #tpu.memory_space<hbm>> -> memref<64x128xf32, #tpu.memory_space<hbm>>
    %dma_wait3A_86 = arith.constant 0 : i32
    %dma_wait3A_87 = arith.constant 0 : i32
    %dma_wait3A_88 = tpu.memref_slice %arg7[%dma_wait3A_77, %dma_wait3A_86, %dma_wait3A_87] : memref<4x64x128xf32, #tpu.memory_space<vmem>> -> memref<1x64x128xf32, #tpu.memory_space<vmem>>
    %dma_wait3A_89 = tpu.memref_squeeze %dma_wait3A_88 : memref<1x64x128xf32, #tpu.memory_space<vmem>> -> memref<64x128xf32, #tpu.memory_space<vmem>>
    tpu.wait_dma2 semaphore(%arg15 : memref<!tpu.dma_semaphore, #tpu.memory_space<semaphore_mem>>) src(%dma_wait3A_89 : memref<64x128xf32, #tpu.memory_space<vmem>>) dst(%dma_wait3A_85 : memref<64x128xf32, #tpu.memory_space<hbm>>)
    return
  }
}

</mosaic_0001>

<sc_bundles>
// kernel: kernel.3.cloned.1.call-start
scs
__scs_entry_jumppad:
0x0: {  	(pc) =	sbr.rel $0x88, $3  }
0x1: {  	(tag) =	ssettag $0x0;
	lr =	simm.s32 $0x1  }
0x2: {  	[smem:$0x3F9E] =	sst lr;
	_ =	strace $0xD0000000  }
0x3: {  	_ = 	snop  }
0x4: {  	_ = 	snop  }
0x5: {  	_ = 	snop  }
0x6: {  	_ = 	snop  }
0x7: {  	_ = 	snop  }
__scs_overlays_trampoline_lowered:
0x8: {  	[smem:$0x3FAD] =	sst s0  }
0x9: {  	[smem:$0x3FAE] =	sst s1  }
0xa: {  	[smem:$0x3FAF] =	sst s2  }
0xb: {  	[smem:$0x3FB0] =	sst s3  }
0xc: {  	[smem:$0x3FB1] =	sst s4  }
0xd: {  	[smem:$0x3FB2] =	sst s5  }
0xe: {  	[smem:$0x3FB3] =	sst s6  }
0xf: {  	[smem:$0x3FB4] =	sst s7  }
0x10: {  	[smem:$0x3FB5] =	sst s8  }
0x11: {  	[smem:$0x3FB6] =	sst s9;
	s0 =	simm.s32 @!p0 $0x0  }
0x12: {  	s1 =	sld [smem:$0x3F9C];
	s0 =	simm.s32 @p0 $0x1  }
0x13: {  	[smem:$0x3FB7] =	sst s0;
	s0 =	simm.s32 @!p1 $0x0  }
0x14: {  	s2 =	sld [smem:$0x3F9B];
	s0 =	simm.s32 @p1 $0x1  }
0x15: {  	[smem:$0x3FB8] =	sst s0;
	s0 =	simm.s32 @!p2 $0x0  }
0x16: {  	s3 =	sld [smem:$0x3FDB];
	s0 =	simm.s32 @p2 $0x1  }
0x17: {  	s4 =	simm.s32 $0x1BF5;
	[smem:$0x3FBA] =	sst s0  }
0x18: {  	s0 =	sld [smem:$0x3F9D];
	_ =	swait.ge [sflag:s4], $0x0  }
0x19: {  	s7 =	sld [smem:$0x3F9E]  }
0x1a: {  	s8 =	sadd.s32 $0xFFFFE003, lr  }
0x1b: {  	s9 =	sadd.s32 $0xFFFFFEF7, lr;
	s5 =	simm.s32 $0xFFFFFFFF;
	p2 =	slt.u32 s8, $0xFFFFF086  }
0x1c: {  	p1 =	slt.u32 s9, $0xF7A;
	s5 =	simm.s32 @!p2 $0x0  }
0x1d: {  	s5 =	simm.s32 @p1 $0x1;
	p0 =	seq.s32 s7, s2  }
0x1e: {  	s7 =	smul.u32 @!p0 $0xF7A, s2;
	p2 =	seq.s32 @!p0 s5, $0x0  }
0x1f: {  	s9 =	smul.u32 $0xF7A, s1;
	s8 =	simm.s32 @!p0 $0x1BF5;
	p2 =	por !p2, p0  }
0x20: {  	[sflag:s8] =	ssyncset.s32 @!p0 $0xFFFFF086;
	s6 =	sadd.s32 @!p0 s3, s7;
	s7 =	simm.s32 @!p0 $0x108  }
0x21: {  	s3 =	sadd.s32 s3, s9;
	s6 =	sadd.s32 @!p0 $0x88, s6;
	s7 =	simm.s32 @p2 $0x1082  }
0x22: {  	[simem:s7], [sflag:s8] =	dma.local @!p0 [hbm:s6], $0xF7A  }
0x23: {  	s9 =	sor.u32 $0xD0000000, s2;
	s6 =	simm.s32 $0x108;
	_ =	swait.ge @!p0 [sflag:s8], $0x0  }
0x24: {  	s3 =	sadd.s32 $0x88, s3;
	s6 =	simm.s32 @!p1 $0x1082;
	[sflag:s4] =	ssyncset.s32 $0xFFFFF086  }
0x25: {  	[simem:s6], [sflag:s4] =	dma.local [hbm:s3], $0xF7A  }
0x26: {  	[smem:$0x3F9E] =	sst s1;
	(tag) =	ssettag s2;
	_ =	strace s9  }
0x27: {  	s1 =	sld [smem:$0x3FAE]  }
0x28: {  	s2 =	sld [smem:$0x3FAF]  }
0x29: {  	s4 =	sld [smem:$0x3FB1]  }
0x2a: {  	p0 =	seq.s32 s5, $0x0;
	s5 =	sld [smem:$0x3FB2]  }
0x2b: {  	s6 =	sld [smem:$0x3FB3]  }
0x2c: {  	s7 =	sld [smem:$0x3FB4]  }
0x2d: {  	s3 =	simm.s32 $0x108;
	s8 =	sld [smem:$0x3FB5]  }
0x2e: {  	s3 =	simm.s32 @!p0 $0x1082;
	s9 =	sld [smem:$0x3FB6]  }
0x2f: {  	lr =	sadd.s32 s0, s3;
	s0 =	sld [smem:$0x3FAD]  }
0x30: {  	s3 =	sld [smem:$0x3FB0]  }
0x31: {  	[smem:$0x3FB9] =	sst s10  }
0x32: {  	s10 =	sld [smem:$0x3FB7];
	_ =	sdelay $0x3  }
0x33: {  	p0 =	seq.s32 s10, $0x1;
	s10 =	sld [smem:$0x3FB9];
	_ =	sdelay $0x3  }
0x34: {  	[smem:$0x3FB9] =	sst s10  }
0x35: {  	s10 =	sld [smem:$0x3FB8];
	_ =	sdelay $0x3  }
0x36: {  	p1 =	seq.s32 s10, $0x1;
	s10 =	sld [smem:$0x3FB9];
	_ =	sdelay $0x3  }
0x37: {  	[smem:$0x3FB9] =	sst s10  }
0x38: {  	s10 =	sld [smem:$0x3FBA]  }
0x39: {  	_ = 	snop;
	(pc) =	sbr.ind lr, $3  }
0x3a: {  	_ = 	snop  }
0x3b: {  	_ = 	snop  }
0x3c: {  	p2 =	seq.s32 s10, $0x1;
	s10 =	sld [smem:$0x3FB9]  }
0x3d: {  	_ =	shalt  }
0x3e: {  	_ =	shalt  }
0x3f: {  	_ =	shalt  }
0x40: {  	_ =	shalt  }
0x41: {  	_ =	shalt  }
0x42: {  	_ =	shalt  }
0x43: {  	_ =	shalt  }
0x44: {  	_ =	shalt  }
0x45: {  	_ =	shalt  }
0x46: {  	_ =	shalt  }
0x47: {  	_ =	shalt  }
0x48: {  	_ =	shalt  }
0x49: {  	_ =	shalt  }
0x4a: {  	_ =	shalt  }
0x4b: {  	_ =	shalt  }
0x4c: {  	_ =	shalt  }
0x4d: {  	_ =	shalt  }
0x4e: {  	_ =	shalt  }
0x4f: {  	_ =	shalt  }
0x50: {  	_ =	shalt  }
0x51: {  	_ =	shalt  }
0x52: {  	_ =	shalt  }
0x53: {  	_ =	shalt  }
0x54: {  	_ =	shalt  }
0x55: {  	_ =	shalt  }
0x56: {  	_ =	shalt  }
0x57: {  	_ =	shalt  }
0x58: {  	_ =	shalt  }
0x59: {  	_ =	shalt  }
0x5a: {  	_ =	shalt  }
0x5b: {  	_ =	shalt  }
0x5c: {  	_ =	shalt  }
0x5d: {  	_ =	shalt  }
0x5e: {  	_ =	shalt  }
0x5f: {  	_ =	shalt  }
0x60: {  	_ =	shalt  }
0x61: {  	_ =	shalt  }
0x62: {  	_ =	shalt  }
0x63: {  	_ =	shalt  }
0x64: {  	_ =	shalt  }
0x65: {  	_ =	shalt  }
0x66: {  	_ =	shalt  }
0x67: {  	_ =	shalt  }
0x68: {  	_ =	shalt  }
0x69: {  	_ =	shalt  }
0x6a: {  	_ =	shalt  }
0x6b: {  	_ =	shalt  }
0x6c: {  	_ =	shalt  }
0x6d: {  	_ =	shalt  }
0x6e: {  	_ =	shalt  }
0x6f: {  	_ =	shalt  }
0x70: {  	_ =	shalt  }
0x71: {  	_ =	shalt  }
0x72: {  	_ =	shalt  }
0x73: {  	_ =	shalt  }
0x74: {  	_ =	shalt  }
0x75: {  	_ =	shalt  }
0x76: {  	_ =	shalt  }
0x77: {  	_ =	shalt  }
0x78: {  	_ =	shalt  }
0x79: {  	_ =	shalt  }
0x7a: {  	_ =	shalt  }
0x7b: {  	_ =	shalt  }
0x7c: {  	_ =	shalt  }
0x7d: {  	_ =	shalt  }
0x7e: {  	_ =	shalt  }
0x7f: {  	_ =	shalt  }
0x80: {  	_ =	shalt  }
0x81: {  	_ =	shalt  }
0x82: {  	_ =	shalt  }
0x83: {  	_ =	shalt  }
0x84: {  	_ =	shalt  }
0x85: {  	_ =	shalt  }
0x86: {  	_ =	shalt  }
0x87: {  	_ =	shalt  }
.Lfunc_end0:
.L_simem_size_0:
called_computation.1_lowered:
.L_overlay_start_0:
0x88: {  	s2 =	sld [smem:$0x3FD9]  }
0x89: {  	s3 =	sld [smem:$0x3FFE];
	_ =	sdelay $0x1  }
0x8a: {  	s1 =	srdreg.scid  }
0x8b: {  	s0 =	sand.u32 $0x1, s1  }
0x8c: {  	s17 =	sshll.u32 s0, $0xA;
	s2 =	sadd.s32 s3, s2  }
0x8d: {  	s2 =	sadd.s32 s2, s17  }
0x8e: {  	[smem:$0x3FC5] =	sst s2  }
0x8f: {  	_ = 	snop  }
0x90: {  	s2 =	sld [smem:$0x3FD0];
	(tm) =	ssettm $0x1  }
0x91: {  	s18 =	sld [smem:$0x3FFB];
	_ =	sdelay $0x3  }
0x92: {  	_ =	strace s18  }
0x93: {  	s3 =	sld [smem:$0x3FFC];
	_ =	sdelay $0x3  }
0x94: {  	_ =	strace s3  }
0x95: {  	s3 =	sld [smem:$0x3FFD];
	_ =	sdelay $0x3  }
0x96: {  	_ =	strace s3  }
0x97: {  	_ =	strace $0x8FFFFFFF  }
0x98: {  	s19 =	sld [smem:$0x3FDB];
	_ =	sdelay $0x1  }
0x99: {  	s4 =	simm.s32 $_scs_section_size  }
0x9a: {  	s5 =	simm.s32 $_size__tile_overlayer_lowered;
	s6 =	simm.s32 $_tile_overlayer_lowered  }
0x9b: {  	s22 =	simm.s32 $0x1BFF;
	s21 =	sshll.u32 s6, $0x1;
	s3 =	sadd.s32 s4, s19  }
0x9c: {  	s7 =	simm.s32 $0x0;
	s20 =	sshll.u32 s5, $0x1;
	s5 =	sadd.s32 s21, s3  }
0x9d: {  	[timem:s7], [sflag:s22] =	dma.local [hbm:s5], s20  }
0x9e: {  	_ =	swait.ge [sflag:s22], s20  }
0x9f: {  	s4 =	ssub.s32 $0x0, s20;
	[sflag:s22] =	ssyncset.done $0x0  }
0xa0: {  	[sflag:s22] =	ssyncadd.s32 s4;
	_ =	sdelay $0x1  }
0xa1: {  	s23 =	simm.s32 $0x1B8B  }
0xa2: {  	_ =	swait.ge [sflag:s23], $0x1  }
0xa3: {  	[sflag:s23] =	ssyncset.done $0x0  }
0xa4: {  	s25 =	simm.s32 $0x1B8E;
	s24 =	sld [smem:$0x3FFE];
	[sflag:s23] =	ssyncadd.s32 $0xFFFFFFFF  }
0xa5: {  	s26 =	simm.s32 $execute0_lowered;
	[smem:$0x3FD2] =	sst s25  }
0xa6: {  	s5 =	sshll.u32 s26, $0x1;
	_ =	strace $0x80000046;
	[dreg:$0x1] =	wrdreg $0xFFFFFFFF  }
0xa7: {  	s28 =	simm.s32 $_size_execute0_lowered;
	s3 =	sadd.s32 s3, s5;
	[dreg:$0x0] =	wrdreg $0x0  }
0xa8: {  	s5 =	sshll.u32 s28, $0x1;
	[dreg:$0x2] =	wrdreg s3  }
0xa9: {  	[dreg:$0x3] =	wrdreg s5  }
0xaa: {  	[dreg:$0x4] =	wrdreg $0xC0  }
0xab: {  	_ =	task [dreg:s7], $0x5FFFF  }
0xac: {  	[dreg:$0x1] =	wrdreg $0xFFFFFFFF  }
0xad: {  	[dreg:$0x0] =	wrdreg $0x60  }
0xae: {  	[dreg:$0x2] =	wrdreg s24  }
0xaf: {  	[dreg:$0x3] =	wrdreg s2  }
0xb0: {  	[dreg:$0x4] =	wrdreg $0x9  }
0xb1: {  	_ =	task.clear_ibuf [dreg:s7], $0x5FFFF;
	_ =	strace $0x90000046  }
0xb2: {  	s29 =	simm.s32 $0x9;
	_ =	strace $0x80000048  }
0xb3: {  	_ =	swait.ge [sflag:s29], $0x1  }
0xb4: {  	[sflag:s29] =	ssyncadd.s32 $0xFFFFFFFF  }
0xb5: {  	_ =	strace $0x90000048  }
0xb6: {  	_ =	sfence  }
0xb7: {  	s30 =	sld [smem:$0x0];
	_ =	sdelay $0x2  }
0xb8: {  	s31 =	sshll.u32 s1, $0xD;
	s1 =	sshrl.u32 s1, $0x2  }
0xb9: {  	s3 =	sand.u32 $0x4000, s31;
	s1 =	sadd.s32 s1, s30  }
0xba: {  	s0 =	sor.u32 s3, s0;
	s1 =	sshll.u32 s1, $0x11  }
0xbb: {  	s0 =	sor.u32 s1, s0  }
0xbc: {  	s0 =	sadd.s32 $0x8F2B, s0  }
0xbd: {  	[sflag:s0] =	ssyncadd.remote.s32 $0x1  }
0xbe: {  	_ =	sfence.sel $0xFFFF  }
0xbf: {  	[dreg:$0x0] =	wrdreg $0xFFFFFFFF;
	(pc) =	sbr.abs _section_cstart, $3  }
0xc0: {  	[dreg:$0x1] =	wrdreg $0xFFFFFFFF  }
0xc1: {  	_ =	task.clear_ibuf [dreg:s7], $0x2FFFF;
	_ =	strace $0x9FFFFFFF  }
0xc2: {  	(tm) =	ssettm $0x7FFFFFFF  }
0xc3: {  	_ =	shalt  }
tec
execute0_lowered:
.L_overlay_start_1:
0x0: {  	(tag) =	ssettag $0x1  }
0x1: {  	s0 =	rddreg [dreg:$0x0];
	s1 =	srdreg.scid  }
0x2: {  	s3 =	stileid.u32;
	s2 =	rddreg [dreg:$0x1];
	s9 =	simm.s32 $0x9  }
0x3: {  	s10 =	simm.s32 $0x80;
	s11 =	simm.s32 $0x6400;
	s12 =	simm.s32 $0xA400  }
0x4: {  	s13 =	simm.s32 $0x1;
	s14 =	simm.s32 $0x16400;
	s15 =	simm.s32 $0xE400  }
0x5: {  	s16 =	simm.s32 $0x2;
	s17 =	simm.s32 $0x18400;
	s18 =	simm.s32 $0x12400  }
0x6: {  	s19 =	simm.s32 $0x3;
	s20 =	simm.s32 $0x1A400;
	s21 =	simm.s32 $0x4  }
0x7: {  	s22 =	simm.s32 $0x8;
	s1 =	sand.u32 $0x1, s1;
	s4 =	sshll.u32 s3, $0x1  }
0x8: {  	s23 =	simm.s32 $0x1C400;
	s24 =	simm.s32 $0x5;
	s4 =	sor.u32 s1, s4  }
0x9: {  	s25 =	simm.s32 $0x6;
	s3 =	simm.s32 $0x0;
	s5 =	smul.u32 $0xC80, s4  }
.Ltmp0:
0xa: {  	s26 =	simm.s32 $0x7;
	[smem:$0x7FF] =	sst s3;
	(pc) =	sbr.rel .LBB2_1-.Ltmp0, $4  }
0xb: {  	s28 =	simm.s32 $0x0;
	s1 =	ssub.s32 $0x2, s1;
	_ =	strace $0x80000047  }
0xc: {  	s7 =	sshrl.u32 s1, $0x1;
	s4 =	smul.u32 $0xC8, s4;
	s6 =	sadd.s32 s5, s0  }
0xd: {  	s30 =	ssub.s32 s1, s7;
	s5 =	sadd.s32 $0x19800, s0;
	s31 =	sadd.s32 $0x800, s6  }
0xe: {  	s7 =	sor.u32 $0x1, s4;
	s8 =	smax.u32 s30, $0x1;
	[dreg:$0x3] =	wrdreg s31  }
.LBB2_16:
0xf: {  	_ =	swait.ge [sflag:s24], $0x2000  }
0x10: {  	[sflag:s24] =	ssyncset.done $0x0  }
0x11: {  	[sflag:s24] =	ssyncadd.s32 $0xFFFFE000  }
0x12: {  	_ =	swait.ge [sflag:s25], $0x2000  }
0x13: {  	[sflag:s25] =	ssyncset.done $0x0  }
0x14: {  	s28 =	sadd.s32 $0x1, s28;
	[sflag:s25] =	ssyncadd.s32 $0xFFFFE000  }
0x15: {  	p0 =	sne.s32 s28, s8;
	_ =	swait.ge [sflag:s26], $0x2000  }
.Ltmp1:
0x16: {  	[sflag:s26] =	ssyncset.done $0x0;
	(pc) =	sbr.rel @!p0 .LBB2_17-.Ltmp1, $4  }
0x17: {  	[sflag:s26] =	ssyncadd.s32 $0xFFFFE000  }
0x18: {  	_ =	swait.ge [sflag:s22], $0x2000  }
0x19: {  	[sflag:s22] =	ssyncset.done $0x0  }
0x1a: {  	[sflag:s22] =	ssyncadd.s32 $0xFFFFE000  }
.LBB2_1:
0x1b: {  	s0 =	rddreg [dreg:$0x3]  }
0x1c: {  	[tilespmem:s3], [sflag:$0x9] =	stream.linear.gather [hbm4b:s0+s3], $0x6400, $0x38;
	[tilespmem:$0x1E400] =	vst v63  }
0x1d: {  	_ =	swait.ge [sflag:s9], $0x6400  }
0x1e: {  	[sflag:s9] =	ssyncset.done $0x0  }
0x1f: {  	[sflag:s9] =	ssyncadd.s32 $0xFFFF9C00  }
0x20: {  	[tilespmem:s11], [sflag:$0x1] =	stream.indirect.gather [hbm4b:s5+s10], $0x80, s3, s10, $0xb8;
	[tilespmem:$0x1E400] =	vst v63  }
0x21: {  	s29 =	simm.s32 $0x0  }
0x22: {  	[tilespmem:s12], [sflag:$0x2] =	stream.indirect.gather [hbm4b:s5+s10], $0x80, s10, s10, $0xb8;
	[tilespmem:$0x1E400] =	vst v63  }
.LBB2_2:
0x23: {  	_ =	swait.ge [sflag:s13], $0x4000  }
0x24: {  	p0 =	seq.s32 s29, $0x0;
	[sflag:s13] =	ssyncset.done $0x0  }
0x25: {  	s0 =	simm.s32 @!p0 $0x5;
	[sflag:s13] =	ssyncadd.s32 $0xFFFFC000  }
0x26: {  	_ =	swait.ge @!p0 [sflag:s0], $0x2000  }
0x27: {  	[sflag:s0] =	ssyncset.done @!p0 $0x0  }
0x28: {  	s31 =	simm.s32 $0x0;
	[sflag:s0] =	ssyncadd.s32 @!p0 $0xFFFFE000  }
0x29: {  	v0 =	vld [tilespmem:s31+$0x6400];
	_ =	sdelay $0x3  }
0x2a: {  	s30 =	simm.s32 $0x16440  }
0x2b: {  	[tilespmem:s30+$0xFFFFFFC0] =	vst v0  }
0x2c: {  	v0 =	vld [tilespmem:s31+$0x6410];
	_ =	sdelay $0x4  }
0x2d: {  	[tilespmem:s30+$0xFFFFFFD0] =	vst v0  }
0x2e: {  	v0 =	vld [tilespmem:s31+$0x6420];
	_ =	sdelay $0x4  }
0x2f: {  	[tilespmem:s30+$0xFFFFFFE0] =	vst v0  }
0x30: {  	v0 =	vld [tilespmem:s31+$0x6430];
	_ =	sdelay $0x4  }
0x31: {  	[tilespmem:s30+$0xFFFFFFF0] =	vst v0  }
0x32: {  	v0 =	vld [tilespmem:s31+$0x6480];
	_ =	sdelay $0x4  }
0x33: {  	[tilespmem:s30+$0x0] =	vst v0  }
0x34: {  	v0 =	vld [tilespmem:s31+$0x6490];
	_ =	sdelay $0x4  }
0x35: {  	[tilespmem:s30+$0x10] =	vst v0  }
0x36: {  	v0 =	vld [tilespmem:s31+$0x64A0];
	_ =	sdelay $0x4  }
0x37: {  	[tilespmem:s30+$0x20] =	vst v0  }
0x38: {  	v0 =	vld [tilespmem:s31+$0x64B0];
	_ =	sdelay $0x4  }
0x39: {  	s1 =	simm.s32 $0x100;
	s0 =	simm.s32 $0x800;
	[tilespmem:s30+$0x30] =	vst v0  }
.LBB2_3:
0x3a: {  	p1 =	sne.s32 s0, $0xFC00;
	v0 =	vld [tilespmem:s1+$0x6400];
	_ =	sdelay $0x3  }
0x3b: {  	s30 =	sadd.s32 $0x80, s30  }
0x3c: {  	[tilespmem:s30+$0xFFFFFFC0] =	vst v0  }
0x3d: {  	v0 =	vld [tilespmem:s1+$0x6410];
	_ =	sdelay $0x4  }
0x3e: {  	[tilespmem:s30+$0xFFFFFFD0] =	vst v0  }
0x3f: {  	v0 =	vld [tilespmem:s1+$0x6420];
	_ =	sdelay $0x4  }
0x40: {  	[tilespmem:s30+$0xFFFFFFE0] =	vst v0  }
0x41: {  	v0 =	vld [tilespmem:s1+$0x6430];
	_ =	sdelay $0x4  }
0x42: {  	[tilespmem:s30+$0xFFFFFFF0] =	vst v0  }
0x43: {  	v0 =	vld [tilespmem:s1+$0x6480];
	_ =	sdelay $0x4  }
0x44: {  	[tilespmem:s30+$0x0] =	vst v0  }
0x45: {  	v0 =	vld [tilespmem:s1+$0x6490];
	_ =	sdelay $0x4  }
0x46: {  	[tilespmem:s30+$0x10] =	vst v0  }
0x47: {  	v0 =	vld [tilespmem:s1+$0x64A0];
	_ =	sdelay $0x4  }
0x48: {  	[tilespmem:s30+$0x20] =	vst v0  }
0x49: {  	v0 =	vld [tilespmem:s1+$0x64B0]  }
.Ltmp2:
0x4a: {  	(pc) =	sbr.rel @p1 .LBB2_3-.Ltmp2, $2  }
0x4b: {  	_ =	sdelay $0x2  }
0x4c: {  	s1 =	sshra.s32 s0, $0x2;
	s0 =	sadd.s32 $0x400, s0;
	[tilespmem:s30+$0x30] =	vst v0  }
0x4d: {  	v0 =	vld [tilespmem:s1+$0x6400];
	_ =	sdelay $0x3  }
0x4e: {  	s0 =	sadd.s32 $0x80, s30  }
0x4f: {  	[tilespmem:s0+$0xFFFFFFC0] =	vst v0  }
0x50: {  	v0 =	vld [tilespmem:s1+$0x6410];
	_ =	sdelay $0x4  }
0x51: {  	[tilespmem:s0+$0xFFFFFFD0] =	vst v0  }
0x52: {  	v0 =	vld [tilespmem:s1+$0x6420];
	_ =	sdelay $0x4  }
0x53: {  	[tilespmem:s0+$0xFFFFFFE0] =	vst v0  }
0x54: {  	v0 =	vld [tilespmem:s1+$0x6430];
	_ =	sdelay $0x4  }
0x55: {  	[tilespmem:s0+$0xFFFFFFF0] =	vst v0  }
0x56: {  	v0 =	vld [tilespmem:s1+$0x6480];
	_ =	sdelay $0x4  }
0x57: {  	[tilespmem:s0+$0x0] =	vst v0  }
0x58: {  	v0 =	vld [tilespmem:s1+$0x6490];
	_ =	sdelay $0x4  }
0x59: {  	[tilespmem:s0+$0x10] =	vst v0  }
0x5a: {  	v0 =	vld [tilespmem:s1+$0x64A0];
	_ =	sdelay $0x4  }
0x5b: {  	[tilespmem:s0+$0x20] =	vst v0  }
0x5c: {  	v0 =	vld [tilespmem:s1+$0x64B0];
	_ =	sdelay $0x1  }
0x5d: {  	s30 =	sshll.u32 s29, $0x2  }
0x5e: {  	s6 =	sadd.s32 s4, s30  }
0x5f: {  	s31 =	sor.u32 $0x2, s30;
	s1 =	sshll.u32 s6, $0xA  }
0x60: {  	s6 =	sadd.s32 s2, s1;
	s1 =	sshll.u32 s31, $0x7;
	[tilespmem:s0+$0x30] =	vst v0  }
0x61: {  	[hbm4b:s6+s3] =	stream.linear.scatter [tilespmem:s14], [sflag:$0x5], $0x2000, $0x38;
	[tilespmem:$0x1E400] =	vst v63  }
0x62: {  	s0 =	sand.u32 $0x3FFFFF00, s1  }
0x63: {  	[tilespmem:s15], [sflag:$0x3] =	stream.indirect.gather [hbm4b:s5+s10], $0x80, s0, s10, $0xb8;
	[tilespmem:$0x1E400] =	vst v63  }
0x64: {  	_ =	swait.ge [sflag:s16], $0x4000  }
0x65: {  	[sflag:s16] =	ssyncset.done $0x0  }
0x66: {  	s0 =	simm.s32 @!p0 $0x6;
	[sflag:s16] =	ssyncadd.s32 $0xFFFFC000  }
0x67: {  	_ =	swait.ge @!p0 [sflag:s0], $0x2000  }
0x68: {  	[sflag:s0] =	ssyncset.done @!p0 $0x0  }
0x69: {  	s6 =	simm.s32 $0x0;
	[sflag:s0] =	ssyncadd.s32 @!p0 $0xFFFFE000  }
0x6a: {  	v63 =	vld [tilespmem:s6+$0xA400];
	_ =	sdelay $0x3  }
0x6b: {  	s1 =	simm.s32 $0x18470  }
0x6c: {  	[tilespmem:s1+$0xFFFFFF90] =	vst v63  }
0x6d: {  	v0 =	vld [tilespmem:s6+$0xA410];
	_ =	sdelay $0x4  }
0x6e: {  	[tilespmem:s1+$0xFFFFFFA0] =	vst v0  }
0x6f: {  	v0 =	vld [tilespmem:s6+$0xA420];
	_ =	sdelay $0x4  }
0x70: {  	[tilespmem:s1+$0xFFFFFFB0] =	vst v0  }
0x71: {  	v0 =	vld [tilespmem:s6+$0xA430];
	_ =	sdelay $0x4  }
0x72: {  	[tilespmem:s1+$0xFFFFFFC0] =	vst v0  }
0x73: {  	v0 =	vld [tilespmem:s6+$0xA480];
	_ =	sdelay $0x4  }
0x74: {  	[tilespmem:s1+$0xFFFFFFD0] =	vst v0  }
0x75: {  	v0 =	vld [tilespmem:s6+$0xA490];
	_ =	sdelay $0x4  }
0x76: {  	[tilespmem:s1+$0xFFFFFFE0] =	vst v0  }
0x77: {  	v0 =	vld [tilespmem:s6+$0xA4A0];
	_ =	sdelay $0x4  }
0x78: {  	[tilespmem:s1+$0xFFFFFFF0] =	vst v0  }
0x79: {  	v0 =	vld [tilespmem:s6+$0xA4B0];
	_ =	sdelay $0x4  }
0x7a: {  	s0 =	simm.s32 $0x100;
	s6 =	simm.s32 $0x800;
	[tilespmem:s1+$0x0] =	vst v0  }
.LBB2_5:
0x7b: {  	p1 =	sne.s32 s6, $0xFC00;
	v0 =	vld [tilespmem:s0+$0xA400];
	_ =	sdelay $0x3  }
0x7c: {  	s1 =	sadd.s32 $0x80, s1  }
0x7d: {  	[tilespmem:s1+$0xFFFFFF90] =	vst v0  }
0x7e: {  	v0 =	vld [tilespmem:s0+$0xA410];
	_ =	sdelay $0x4  }
0x7f: {  	[tilespmem:s1+$0xFFFFFFA0] =	vst v0  }
0x80: {  	v0 =	vld [tilespmem:s0+$0xA420];
	_ =	sdelay $0x4  }
0x81: {  	[tilespmem:s1+$0xFFFFFFB0] =	vst v0  }
0x82: {  	v0 =	vld [tilespmem:s0+$0xA430];
	_ =	sdelay $0x4  }
0x83: {  	[tilespmem:s1+$0xFFFFFFC0] =	vst v0  }
0x84: {  	v0 =	vld [tilespmem:s0+$0xA480];
	_ =	sdelay $0x4  }
0x85: {  	[tilespmem:s1+$0xFFFFFFD0] =	vst v0  }
0x86: {  	v0 =	vld [tilespmem:s0+$0xA490];
	_ =	sdelay $0x4  }
0x87: {  	[tilespmem:s1+$0xFFFFFFE0] =	vst v0  }
0x88: {  	v0 =	vld [tilespmem:s0+$0xA4A0];
	_ =	sdelay $0x4  }
0x89: {  	[tilespmem:s1+$0xFFFFFFF0] =	vst v0  }
0x8a: {  	v0 =	vld [tilespmem:s0+$0xA4B0]  }
.Ltmp3:
0x8b: {  	(pc) =	sbr.rel @p1 .LBB2_5-.Ltmp3, $2  }
0x8c: {  	_ =	sdelay $0x2  }
0x8d: {  	s0 =	sshra.s32 s6, $0x2;
	s6 =	sadd.s32 $0x400, s6;
	[tilespmem:s1+$0x0] =	vst v0  }
0x8e: {  	v0 =	vld [tilespmem:s0+$0xA400];
	_ =	sdelay $0x3  }
0x8f: {  	s1 =	sadd.s32 $0x80, s1  }
0x90: {  	[tilespmem:s1+$0xFFFFFF90] =	vst v0  }
0x91: {  	v0 =	vld [tilespmem:s0+$0xA410];
	_ =	sdelay $0x4  }
0x92: {  	[tilespmem:s1+$0xFFFFFFA0] =	vst v0  }
0x93: {  	v0 =	vld [tilespmem:s0+$0xA420];
	_ =	sdelay $0x4  }
0x94: {  	[tilespmem:s1+$0xFFFFFFB0] =	vst v0  }
0x95: {  	v0 =	vld [tilespmem:s0+$0xA430];
	_ =	sdelay $0x4  }
0x96: {  	[tilespmem:s1+$0xFFFFFFC0] =	vst v0  }
0x97: {  	v0 =	vld [tilespmem:s0+$0xA480];
	_ =	sdelay $0x4  }
0x98: {  	[tilespmem:s1+$0xFFFFFFD0] =	vst v0  }
0x99: {  	v0 =	vld [tilespmem:s0+$0xA490];
	_ =	sdelay $0x4  }
0x9a: {  	[tilespmem:s1+$0xFFFFFFE0] =	vst v0  }
0x9b: {  	v0 =	vld [tilespmem:s0+$0xA4A0];
	_ =	sdelay $0x4  }
0x9c: {  	[tilespmem:s1+$0xFFFFFFF0] =	vst v0  }
0x9d: {  	v0 =	vld [tilespmem:s0+$0xA4B0];
	_ =	sdelay $0x1  }
0x9e: {  	s6 =	sadd.s32 s30, s7  }
0x9f: {  	s0 =	sshll.u32 s6, $0xA  }
0xa0: {  	s30 =	sor.u32 $0x3, s30;
	s0 =	sand.u32 $0x1FFFF400, s0  }
0xa1: {  	s0 =	sadd.s32 s2, s0;
	[tilespmem:s1+$0x0] =	vst v0;
	s1 =	sshll.u32 s30, $0x7  }
0xa2: {  	[hbm4b:s0+s3] =	stream.linear.scatter [tilespmem:s17], [sflag:$0x6], $0x2000, $0x38;
	[tilespmem:$0x1E400] =	vst v63  }
0xa3: {  	s0 =	sand.u32 $0x3FFFFF80, s1  }
0xa4: {  	[tilespmem:s18], [sflag:$0x4] =	stream.indirect.gather [hbm4b:s5+s10], $0x80, s0, s10, $0xb8;
	[tilespmem:$0x1E400] =	vst v63  }
0xa5: {  	_ =	swait.ge [sflag:s19], $0x4000  }
0xa6: {  	[sflag:s19] =	ssyncset.done $0x0  }
0xa7: {  	s0 =	simm.s32 @!p0 $0x7;
	[sflag:s19] =	ssyncadd.s32 $0xFFFFC000  }
0xa8: {  	_ =	swait.ge @!p0 [sflag:s0], $0x2000  }
0xa9: {  	[sflag:s0] =	ssyncset.done @!p0 $0x0  }
0xaa: {  	s6 =	simm.s32 $0x0;
	[sflag:s0] =	ssyncadd.s32 @!p0 $0xFFFFE000  }
0xab: {  	v63 =	vld [tilespmem:s6+$0xE400];
	_ =	sdelay $0x3  }
0xac: {  	s1 =	simm.s32 $0x1A400  }
0xad: {  	[tilespmem:s1+$0x0] =	vst v63  }
0xae: {  	v0 =	vld [tilespmem:s6+$0xE410];
	_ =	sdelay $0x4  }
0xaf: {  	[tilespmem:s1+$0x10] =	vst v0  }
0xb0: {  	v0 =	vld [tilespmem:s6+$0xE420];
	_ =	sdelay $0x4  }
0xb1: {  	[tilespmem:s1+$0x20] =	vst v0  }
0xb2: {  	v0 =	vld [tilespmem:s6+$0xE430];
	_ =	sdelay $0x4  }
0xb3: {  	[tilespmem:s1+$0x30] =	vst v0  }
0xb4: {  	v0 =	vld [tilespmem:s6+$0xE480];
	_ =	sdelay $0x4  }
0xb5: {  	[tilespmem:s1+$0x40] =	vst v0  }
0xb6: {  	v0 =	vld [tilespmem:s6+$0xE490];
	_ =	sdelay $0x4  }
0xb7: {  	[tilespmem:s1+$0x50] =	vst v0  }
0xb8: {  	v0 =	vld [tilespmem:s6+$0xE4A0];
	_ =	sdelay $0x4  }
0xb9: {  	[tilespmem:s1+$0x60] =	vst v0  }
0xba: {  	v0 =	vld [tilespmem:s6+$0xE4B0];
	_ =	sdelay $0x4  }
0xbb: {  	s0 =	simm.s32 $0x100;
	s6 =	simm.s32 $0x800;
	[tilespmem:s1+$0x70] =	vst v0  }
.LBB2_7:
0xbc: {  	p1 =	sne.s32 s6, $0xFC00;
	v0 =	vld [tilespmem:s0+$0xE400];
	_ =	sdelay $0x3  }
0xbd: {  	s1 =	sadd.s32 $0x80, s1  }
0xbe: {  	[tilespmem:s1+$0x0] =	vst v0  }
0xbf: {  	v0 =	vld [tilespmem:s0+$0xE410];
	_ =	sdelay $0x4  }
0xc0: {  	[tilespmem:s1+$0x10] =	vst v0  }
0xc1: {  	v0 =	vld [tilespmem:s0+$0xE420];
	_ =	sdelay $0x4  }
0xc2: {  	[tilespmem:s1+$0x20] =	vst v0  }
0xc3: {  	v0 =	vld [tilespmem:s0+$0xE430];
	_ =	sdelay $0x4  }
0xc4: {  	[tilespmem:s1+$0x30] =	vst v0  }
0xc5: {  	v0 =	vld [tilespmem:s0+$0xE480];
	_ =	sdelay $0x4  }
0xc6: {  	[tilespmem:s1+$0x40] =	vst v0  }
0xc7: {  	v0 =	vld [tilespmem:s0+$0xE490];
	_ =	sdelay $0x4  }
0xc8: {  	[tilespmem:s1+$0x50] =	vst v0  }
0xc9: {  	v0 =	vld [tilespmem:s0+$0xE4A0];
	_ =	sdelay $0x4  }
0xca: {  	[tilespmem:s1+$0x60] =	vst v0  }
0xcb: {  	v0 =	vld [tilespmem:s0+$0xE4B0]  }
.Ltmp4:
0xcc: {  	(pc) =	sbr.rel @p1 .LBB2_7-.Ltmp4, $2  }
0xcd: {  	_ =	sdelay $0x2  }
0xce: {  	s0 =	sshra.s32 s6, $0x2;
	s6 =	sadd.s32 $0x400, s6;
	[tilespmem:s1+$0x70] =	vst v0  }
0xcf: {  	v0 =	vld [tilespmem:s0+$0xE400];
	_ =	sdelay $0x3  }
0xd0: {  	s1 =	sadd.s32 $0x80, s1  }
0xd1: {  	[tilespmem:s1+$0x0] =	vst v0  }
0xd2: {  	v0 =	vld [tilespmem:s0+$0xE410];
	_ =	sdelay $0x4  }
0xd3: {  	[tilespmem:s1+$0x10] =	vst v0  }
0xd4: {  	v0 =	vld [tilespmem:s0+$0xE420];
	_ =	sdelay $0x4  }
0xd5: {  	[tilespmem:s1+$0x20] =	vst v0  }
0xd6: {  	v0 =	vld [tilespmem:s0+$0xE430];
	_ =	sdelay $0x4  }
0xd7: {  	[tilespmem:s1+$0x30] =	vst v0  }
0xd8: {  	v0 =	vld [tilespmem:s0+$0xE480];
	_ =	sdelay $0x4  }
0xd9: {  	[tilespmem:s1+$0x40] =	vst v0  }
0xda: {  	v0 =	vld [tilespmem:s0+$0xE490];
	_ =	sdelay $0x4  }
0xdb: {  	[tilespmem:s1+$0x50] =	vst v0  }
0xdc: {  	v0 =	vld [tilespmem:s0+$0xE4A0];
	_ =	sdelay $0x4  }
0xdd: {  	[tilespmem:s1+$0x60] =	vst v0  }
0xde: {  	v0 =	vld [tilespmem:s0+$0xE4B0]  }
0xdf: {  	p1 =	sne.s32 s29, $0x31  }
.Ltmp5:
0xe0: {  	s31 =	sadd.s32 s4, s31;
	(pc) =	sbr.rel @p1 .LBB2_10-.Ltmp5, $4  }
0xe1: {  	s0 =	sshll.u32 s31, $0xA  }
0xe2: {  	s0 =	sand.u32 $0x1FFFF800, s0  }
0xe3: {  	s0 =	sadd.s32 s2, s0;
	[tilespmem:s1+$0x70] =	vst v0  }
0xe4: {  	[hbm4b:s0+s3] =	stream.linear.scatter [tilespmem:s20], [sflag:$0x7], $0x2000, $0x38;
	[tilespmem:$0x1E400] =	vst v63  }
.Ltmp6:
0xe5: {  	(pc) =	sbr.rel .LBB2_11-.Ltmp6, $4  }
0xe6: {  	_ = 	snop  }
0xe7: {  	_ =	swait.ge [sflag:s21], $0x4000  }
0xe8: {  	[sflag:s21] =	ssyncset.done $0x0  }
0xe9: {  	[sflag:s21] =	ssyncadd.s32 $0xFFFFC000  }
.LBB2_10:
0xea: {  	s0 =	sshll.u32 s29, $0x9  }
0xeb: {  	s0 =	sand.u32 $0x3FFFFE00, s0  }
.Ltmp7:
0xec: {  	s0 =	sadd.s32 $0x200, s0;
	(pc) =	sbr.rel @p0 .LBB2_12-.Ltmp7, $4  }
0xed: {  	[tilespmem:s11], [sflag:$0x1] =	stream.indirect.gather [hbm4b:s5+s10], $0x80, s0, s10, $0xb8;
	[tilespmem:$0x1E400] =	vst v63  }
0xee: {  	_ =	swait.ge [sflag:s21], $0x4000  }
0xef: {  	[sflag:s21] =	ssyncset.done $0x0  }
0xf0: {  	[sflag:s21] =	ssyncadd.s32 $0xFFFFC000  }
.LBB2_11:
0xf1: {  	_ =	swait.ge [sflag:s22], $0x2000  }
0xf2: {  	[sflag:s22] =	ssyncset.done $0x0  }
0xf3: {  	[sflag:s22] =	ssyncadd.s32 $0xFFFFE000  }
.LBB2_12:
0xf4: {  	s0 =	simm.s32 $0x0  }
0xf5: {  	v0 =	vld [tilespmem:s0+$0x12400];
	_ =	sdelay $0x3  }
0xf6: {  	s1 =	simm.s32 $0x1C400  }
0xf7: {  	[tilespmem:s1+$0x0] =	vst v0  }
0xf8: {  	v0 =	vld [tilespmem:s0+$0x12410];
	_ =	sdelay $0x4  }
0xf9: {  	[tilespmem:s1+$0x10] =	vst v0  }
0xfa: {  	v0 =	vld [tilespmem:s0+$0x12420];
	_ =	sdelay $0x4  }
0xfb: {  	[tilespmem:s1+$0x20] =	vst v0  }
0xfc: {  	v0 =	vld [tilespmem:s0+$0x12430];
	_ =	sdelay $0x4  }
0xfd: {  	[tilespmem:s1+$0x30] =	vst v0  }
0xfe: {  	v0 =	vld [tilespmem:s0+$0x12480];
	_ =	sdelay $0x4  }
0xff: {  	[tilespmem:s1+$0x40] =	vst v0  }
0x100: {  	v0 =	vld [tilespmem:s0+$0x12490];
	_ =	sdelay $0x4  }
0x101: {  	[tilespmem:s1+$0x50] =	vst v0  }
0x102: {  	v0 =	vld [tilespmem:s0+$0x124A0];
	_ =	sdelay $0x4  }
0x103: {  	[tilespmem:s1+$0x60] =	vst v0  }
0x104: {  	v0 =	vld [tilespmem:s0+$0x124B0];
	_ =	sdelay $0x4  }
0x105: {  	s6 =	simm.s32 $0x800;
	s0 =	simm.s32 $0x100;
	[tilespmem:s1+$0x70] =	vst v0  }
.LBB2_13:
0x106: {  	p0 =	sne.s32 s6, $0xFC00;
	v0 =	vld [tilespmem:s0+$0x12400];
	_ =	sdelay $0x3  }
0x107: {  	s1 =	sadd.s32 $0x80, s1  }
0x108: {  	[tilespmem:s1+$0x0] =	vst v0  }
0x109: {  	v0 =	vld [tilespmem:s0+$0x12410];
	_ =	sdelay $0x4  }
0x10a: {  	[tilespmem:s1+$0x10] =	vst v0  }
0x10b: {  	v0 =	vld [tilespmem:s0+$0x12420];
	_ =	sdelay $0x4  }
0x10c: {  	[tilespmem:s1+$0x20] =	vst v0  }
0x10d: {  	v0 =	vld [tilespmem:s0+$0x12430];
	_ =	sdelay $0x4  }
0x10e: {  	[tilespmem:s1+$0x30] =	vst v0  }
0x10f: {  	v0 =	vld [tilespmem:s0+$0x12480];
	_ =	sdelay $0x4  }
0x110: {  	[tilespmem:s1+$0x40] =	vst v0  }
0x111: {  	v0 =	vld [tilespmem:s0+$0x12490];
	_ =	sdelay $0x4  }
0x112: {  	[tilespmem:s1+$0x50] =	vst v0  }
0x113: {  	v0 =	vld [tilespmem:s0+$0x124A0];
	_ =	sdelay $0x4  }
0x114: {  	[tilespmem:s1+$0x60] =	vst v0  }
0x115: {  	v0 =	vld [tilespmem:s0+$0x124B0]  }
.Ltmp8:
0x116: {  	(pc) =	sbr.rel @p0 .LBB2_13-.Ltmp8, $2  }
0x117: {  	_ =	sdelay $0x2  }
0x118: {  	s0 =	sshra.s32 s6, $0x2;
	s6 =	sadd.s32 $0x400, s6;
	[tilespmem:s1+$0x70] =	vst v0  }
0x119: {  	v0 =	vld [tilespmem:s0+$0x12400];
	_ =	sdelay $0x3  }
0x11a: {  	s1 =	sadd.s32 $0x80, s1  }
0x11b: {  	[tilespmem:s1+$0x0] =	vst v0  }
0x11c: {  	v0 =	vld [tilespmem:s0+$0x12410];
	_ =	sdelay $0x4  }
0x11d: {  	[tilespmem:s1+$0x10] =	vst v0  }
0x11e: {  	v0 =	vld [tilespmem:s0+$0x12420];
	_ =	sdelay $0x4  }
0x11f: {  	[tilespmem:s1+$0x20] =	vst v0  }
0x120: {  	v0 =	vld [tilespmem:s0+$0x12430];
	_ =	sdelay $0x4  }
0x121: {  	[tilespmem:s1+$0x30] =	vst v0  }
0x122: {  	v0 =	vld [tilespmem:s0+$0x12480];
	_ =	sdelay $0x4  }
0x123: {  	[tilespmem:s1+$0x40] =	vst v0  }
0x124: {  	v0 =	vld [tilespmem:s0+$0x12490];
	_ =	sdelay $0x4  }
0x125: {  	[tilespmem:s1+$0x50] =	vst v0  }
0x126: {  	v0 =	vld [tilespmem:s0+$0x124A0];
	_ =	sdelay $0x4  }
0x127: {  	[tilespmem:s1+$0x60] =	vst v0  }
0x128: {  	v0 =	vld [tilespmem:s0+$0x124B0]  }
0x129: {  	p0 =	seq.s32 s29, $0x31  }
.Ltmp9:
0x12a: {  	s31 =	sadd.s32 s4, s30;
	(pc) =	sbr.rel @p0 .LBB2_16-.Ltmp9, $4  }
0x12b: {  	s0 =	sshll.u32 s31, $0xA  }
0x12c: {  	s0 =	sand.u32 $0x1FFFFC00, s0  }
0x12d: {  	s0 =	sadd.s32 s2, s0;
	[tilespmem:s1+$0x70] =	vst v0  }
0x12e: {  	[hbm4b:s0+s3] =	stream.linear.scatter [tilespmem:s23], [sflag:$0x8], $0x2000, $0x38;
	[tilespmem:$0x1E400] =	vst v63  }
.Ltmp10:
0x12f: {  	(pc) =	sbr.rel .LBB2_2-.Ltmp10, $4  }
0x130: {  	s0 =	sshll.u32 s29, $0x9  }
0x131: {  	s0 =	sand.u32 $0x3FFFFE00, s0  }
0x132: {  	s29 =	sadd.s32 $0x1, s29;
	s0 =	sadd.s32 $0x280, s0  }
0x133: {  	[tilespmem:s12], [sflag:$0x2] =	stream.indirect.gather [hbm4b:s5+s10], $0x80, s0, s10, $0xb8;
	[tilespmem:$0x1E400] =	vst v63  }
.LBB2_17:
0x134: {  	_ =	sfence.sel $0x180000  }
0x135: {  	[bflag:$0x0] =	sbarrier.arrive $0xFFFF  }
0x136: {  	_ =	strace $0x90000047  }
0x137: {  	s0 =	stileid.u32;
	[bflag:$0x2] =	sbarrier.arrive $0xFFFF  }
0x138: {  	p0 =	sne.s32 s0, $0x0;
	s0 =	rddreg [dreg:$0x2]  }
0x139: {  	s0 =	sadd.s32 @!p0 $0x100000, s0  }
0x13a: {  	[sflag:s0] =	ssyncadd.tile.s32 @!p0 $0x1;
	_ =	shalt  }
.Lfunc_end2:
_tile_overlayer_lowered:
.L_overlay_start_2:
0x13b: {  	(tag) =	ssettag $0x2  }
0x13c: {  	s0 =	rddreg [dreg:$0x0];
	s2 =	stileid.u32  }
0x13d: {  	s1 =	rddreg [dreg:$0x1];
	p0 =	sne.s32 s2, $0x0  }
0x13e: {  	s3 =	rddreg [dreg:$0x2];
	[bflag:$0x3] =	sbarrier.arrive $0xFFFF;
	s2 =	simm.s32 @!p0 $0x1C09  }
0x13f: {  	[timem:s3], [sflag:s2] =	dma.local @!p0 [hbm:s0], s1  }
0x140: {  	s0 =	simm.s32 @!p0 $0x9  }
0x141: {  	_ =	swait.ge @!p0 [sflag:s0], s1  }
0x142: {  	s1 =	ssub.s32 @!p0 $0x0, s1;
	[sflag:s0] =	ssyncset.done @!p0 $0x0  }
0x143: {  	[sflag:s0] =	ssyncadd.s32 @!p0 s1  }
0x144: {  	[bflag:$0x3] =	sbarrier.arrive $0xFFFF  }
0x145: {  	_ =	shalt  }

// kernel: sparse-core-data-format-call.cloned.1.call-start
scs
called_computation_lowered:
.L_overlay_start_0:
0x0: {  	s2 =	sld [smem:$0x3FD9]  }
0x1: {  	s3 =	sld [smem:$0x3FFE];
	_ =	sdelay $0x1  }
0x2: {  	s1 =	srdreg.scid  }
0x3: {  	s0 =	sand.u32 $0x1, s1  }
0x4: {  	s18 =	sshll.u32 s0, $0xA;
	s2 =	sadd.s32 s3, s2  }
0x5: {  	s2 =	sadd.s32 s2, s18  }
0x6: {  	[smem:$0x3FC5] =	sst s2  }
0x7: {  	_ = 	snop  }
0x8: {  	s2 =	sld [smem:$0x3FD0];
	(tm) =	ssettm $0x1  }
0x9: {  	s19 =	sld [smem:$0x3FFB];
	_ =	sdelay $0x3  }
0xa: {  	_ =	strace s19  }
0xb: {  	s3 =	sld [smem:$0x3FFC];
	_ =	sdelay $0x3  }
0xc: {  	_ =	strace s3  }
0xd: {  	s3 =	sld [smem:$0x3FFD];
	_ =	sdelay $0x3  }
0xe: {  	_ =	strace s3  }
0xf: {  	_ =	strace $0x8FFFFFFF  }
0x10: {  	s20 =	sld [smem:$0x3FDB];
	_ =	sdelay $0x1  }
0x11: {  	s4 =	simm.s32 $_scs_section_size  }
0x12: {  	s5 =	simm.s32 $_size__tile_overlayer_lowered;
	s6 =	simm.s32 $_tile_overlayer_lowered  }
0x13: {  	s23 =	simm.s32 $0x1BFF;
	s22 =	sshll.u32 s6, $0x1;
	s3 =	sadd.s32 s4, s20  }
0x14: {  	s7 =	simm.s32 $0x0;
	s21 =	sshll.u32 s5, $0x1;
	s5 =	sadd.s32 s22, s3  }
0x15: {  	[timem:s7], [sflag:s23] =	dma.local [hbm:s5], s21  }
0x16: {  	_ =	swait.ge [sflag:s23], s21  }
0x17: {  	s4 =	ssub.s32 $0x0, s21;
	[sflag:s23] =	ssyncset.done $0x0  }
0x18: {  	[sflag:s23] =	ssyncadd.s32 s4;
	_ =	sdelay $0x1  }
0x19: {  	s24 =	simm.s32 $0x1B8B  }
0x1a: {  	_ =	swait.ge [sflag:s24], $0x1  }
0x1b: {  	[sflag:s24] =	ssyncset.done $0x0  }
0x1c: {  	s26 =	simm.s32 $0x1B8E;
	s25 =	sld [smem:$0x3FFE];
	[sflag:s24] =	ssyncadd.s32 $0xFFFFFFFF  }
0x1d: {  	s27 =	simm.s32 $execute0_lowered;
	[smem:$0x3FD2] =	sst s26  }
0x1e: {  	s5 =	sshll.u32 s27, $0x1;
	_ =	strace $0x80000049;
	[dreg:$0x1] =	wrdreg $0xFFFFFFFF  }
0x1f: {  	s28 =	simm.s32 $_size_execute0_lowered;
	s3 =	sadd.s32 s3, s5;
	[dreg:$0x0] =	wrdreg $0x0  }
0x20: {  	s5 =	sshll.u32 s28, $0x1;
	[dreg:$0x2] =	wrdreg s3  }
0x21: {  	[dreg:$0x3] =	wrdreg s5  }
0x22: {  	[dreg:$0x4] =	wrdreg $0xC0  }
0x23: {  	_ =	task [dreg:s7], $0x5FFFF  }
0x24: {  	[dreg:$0x1] =	wrdreg $0xFFFFFFFF  }
0x25: {  	[dreg:$0x0] =	wrdreg $0x60  }
0x26: {  	[dreg:$0x2] =	wrdreg s25  }
0x27: {  	[dreg:$0x3] =	wrdreg s2  }
0x28: {  	[dreg:$0x4] =	wrdreg $0x9  }
0x29: {  	_ =	task.clear_ibuf [dreg:s7], $0x5FFFF;
	_ =	strace $0x90000049  }
0x2a: {  	s29 =	simm.s32 $0x9;
	_ =	strace $0x8000004B  }
0x2b: {  	_ =	swait.ge [sflag:s29], $0x1  }
0x2c: {  	[sflag:s29] =	ssyncadd.s32 $0xFFFFFFFF  }
0x2d: {  	_ =	strace $0x9000004B  }
0x2e: {  	_ =	sfence  }
0x2f: {  	s30 =	sld [smem:$0x0];
	_ =	sdelay $0x2  }
0x30: {  	s31 =	sshll.u32 s1, $0xD;
	s1 =	sshrl.u32 s1, $0x2  }
0x31: {  	s3 =	sand.u32 $0x4000, s31;
	s1 =	sadd.s32 s1, s30  }
0x32: {  	s0 =	sor.u32 s3, s0;
	s1 =	sshll.u32 s1, $0x11  }
0x33: {  	s0 =	sor.u32 s1, s0  }
0x34: {  	s0 =	sadd.s32 $0x8F2B, s0  }
0x35: {  	[sflag:s0] =	ssyncadd.remote.s32 $0x1  }
0x36: {  	_ =	sfence.sel $0xFFFF  }
0x37: {  	[dreg:$0x0] =	wrdreg $0xFFFFFFFF;
	(pc) =	sbr.abs _section_cstart, $3  }
0x38: {  	[dreg:$0x1] =	wrdreg $0xFFFFFFFF  }
0x39: {  	_ =	task.clear_ibuf [dreg:s7], $0x2FFFF;
	_ =	strace $0x9FFFFFFF  }
0x3a: {  	(tm) =	ssettm $0x7FFFFFFF  }
0x3b: {  	_ =	shalt  }
tec
execute0_lowered:
.L_overlay_start_1:
0x0: {  	(tag) =	ssettag $0x1  }
0x1: {  	s0 =	srdreg.scid  }
0x2: {  	s1 =	sshll.u32 s0, $0x4  }
0x3: {  	s0 =	stileid.u32;
	s1 =	sand.u32 $0x10, s1  }
0x4: {  	s1 =	sor.u32 s0, s1  }
0x5: {  	s6 =	rddreg [dreg:$0x0];
	s4 =	simm.s32 $0x1;
	s2 =	sshll.u32 s1, $0x7  }
0x6: {  	s7 =	simm.s32 $0x2;
	s12 =	simm.s32 $0x0;
	s1 =	ssub.s32 $0x1000, s2  }
0x7: {  	s8 =	simm.s32 $0x8000;
	s13 =	simm.s32 $0x0;
	s3 =	sand.u32 $0xF80, s1  }
0x8: {  	s9 =	simm.s32 $0x0;
	s5 =	sshrl.u32 s1, $0xC;
	p0 =	sne.s32 s3, $0x0  }
.Ltmp0:
0x9: {  	s1 =	rddreg [dreg:$0x2];
	s4 =	simm.s32 @!p0 $0x0;
	(pc) =	sbr.rel .LBB1_1-.Ltmp0, $4  }
0xa: {  	s11 =	simm.s32 $0x0;
	s3 =	rddreg [dreg:$0x1];
	s5 =	sadd.s32 s4, s5  }
0xb: {  	_ =	strace $0x8000004A;
	s4 =	simm.s32 $0x1;
	s5 =	smul.u32 $0xC8, s5  }
0xc: {  	s6 =	sadd.s32 $0x800, s6;
	s10 =	smov.u32 s2;
	[sflag:s4] =	ssyncpa.u1 $0x0  }
0xd: {  	p0 =	por $0x0, $0x0;
	[sflag:s7] =	ssyncpa.u1 $0x0;
	s7 =	sor.u32 $0x1, s5  }
.LBB1_4:
0xe: {  	s16 =	sshll.u32 s13, $0x3;
	s17 =	sand.u32 $0x78, s13  }
0xf: {  	s30 =	sand.u32 $0x7E00, s13;
	s12 =	sshll.u32 s12, $0xF;
	s16 =	sand.u32 $0xC00, s16  }
0x10: {  	[tilespmem:s15+$0x810 ss:$0x81] =	vst.msk $0xffff, v2;
	s31 =	sand.u32 $0x7, s13;
	s16 =	sor.u32 s17, s16;
	s17 =	sadd.s32 s3, s30  }
0x11: {  	[tilespmem:s15+$0x1020 ss:$0x81] =	vst.msk $0xffff, v0;
	s13 =	sshll.u32 s31, $0x12;
	s12 =	sadd.s32 s12, s17;
	s16 =	sshrl.u32 s16, $0x3  }
0x12: {  	[tilespmem:s15+$0x0 ss:$0x81] =	vst.msk $0xffff, v1;
	s13 =	sor.u32 $0x400, s13;
	s12 =	sadd.s32 s16, s12  }
0x13: {  	[hbm4b:s12+s13] =	stream.strided.scatter [tilespmem:s14], [sflag:$0x2], $0x2000, s8, s13, $0x20;
	[tilespmem:$0x8080] =	vst v63  }
.LBB1_5:
0x14: {  	s14 =	sadd.s32 $0x1, s9  }
0x15: {  	s12 =	sadd.s32 $0x1000, s10;
	s16 =	smov.u32 s10;
	p2 =	sgt.s32 s14, $0xC7  }
0x16: {  	s16 =	smov.u32 @p2 s12  }
0x17: {  	s14 =	simm.s32 @p2 $0x0;
	p2 =	sgt.s32 s16, $0xFFF  }
0x18: {  	s16 =	smov.u32 @p2 s2;
	p2 =	sne.s32 s11, s7  }
.Ltmp1:
0x19: {  	p1 =	slt.u32 s11, $0x2;
	(pc) =	sbr.rel @!p2 .LBB1_6-.Ltmp1, $4  }
0x1a: {  	s15 =	simm.s32 @!p1 $0x2  }
0x1b: {  	s13 =	smov.u32 s10;
	p0 =	por !p0, !p0;
	_ =	swait.ge @!p1 [sflag:s15], $0x2000  }
0x1c: {  	s12 =	smov.u32 s9;
	[sflag:s15] =	ssyncset.done @!p1 $0x0;
	s9 =	smov.u32 s14  }
0x1d: {  	s11 =	sadd.s32 $0x1, s11;
	[sflag:s15] =	ssyncadd.s32 @!p1 $0xFFFFE000;
	s10 =	smov.u32 s16  }
.LBB1_1:
0x1e: {  	p1 =	sge.u32 s11, s5  }
0x1f: {  	s14 =	sand.u32 @!p1 $0x1FFFFFF, s9  }
0x20: {  	s15 =	smulhi.u32 @!p1 $0x147AE15, s14;
	_ =	sdelay $0x1  }
0x21: {  	s15 =	smul.u32 @!p1 $0xC8, s15  }
0x22: {  	s16 =	sxor.u32 @!p1 $0xFFFFFFFF, s11;
	s17 =	smul.u32 @!p1 $0xC80, s10  }
0x23: {  	s31 =	sadd.s32 $0xFFFFFFFF, s11;
	s16 =	sshll.u32 @!p1 s16, $0xD;
	s14 =	ssub.s32 @!p1 s14, s15  }
0x24: {  	s15 =	sand.u32 @!p1 $0x2000, s16;
	s16 =	sadd.s32 @!p1 s6, s17;
	s14 =	sshll.u32 @!p1 s14, $0x4  }
0x25: {  	s17 =	simm.s32 @!p1 $0x6400;
	s14 =	sadd.s32 @!p1 s14, s16;
	s16 =	simm.s32 @!p1 $0x40  }
0x26: {  	[tilespmem:s15], [sflag:$0x1] =	stream.strided.gather @!p1 [hbm4b:s14+s16], $0x2000, s17, s16, $0x38;
	[tilespmem:$0x8080] =	vst v63  }
0x27: {  	p1 =	sge.u32 s31, s5  }
.Ltmp2:
0x28: {  	_ = 	snop;
	(pc) =	sbr.rel @p1 .LBB1_5-.Ltmp2, $1  }
0x29: {  	_ =	sdelay $0x3  }
0x2a: {  	s14 =	simm.s32 $0x1  }
0x2b: {  	_ =	swait.ge [sflag:s4], $0x2000;
	s14 =	simm.s32 @!p0 $0x0  }
0x2c: {  	[sflag:s4] =	ssyncset.done $0x0;
	s15 =	sshll.u32 s14, $0xD  }
0x2d: {  	[sflag:s4] =	ssyncadd.s32 $0xFFFFE000;
	s18 =	sor.u32 $0x20, s15  }
0x2e: {  	s14 =	smul.u32 $0x8100, s14;
	v3 =	vld [tilespmem:s18+$0x10]  }
0x2f: {  	s30 =	sand.u32 $0x1, s11;
	v2 =	vld [tilespmem:s18+$0xFFFFFFF0]  }
0x30: {  	s15 =	smul.u32 $0x8100, s30;
	s14 =	sshrl.u32 s14, $0x2;
	v0 =	vld [tilespmem:s18+$0x0]  }
0x31: {  	v1 =	vld [tilespmem:s18+$0xFFFFFFE0];
	s16 =	sor.u32 $0x4000, s14  }
0x32: {  	s31 =	sshrl.u32 s15, $0x2;
	s15 =	sadd.s32 $0x0, s16  }
0x33: {  	s17 =	simm.s32 $0x4;
	s18 =	sadd.s32 $0x40, s18;
	s14 =	sor.u32 $0x4000, s31;
	[tilespmem:s15+$0x1830 ss:$0x81] =	vst.msk $0xffff, v3  }
.LBB1_3:
0x34: {  	v3 =	vld [tilespmem:s18+$0x10];
	p1 =	sne.s32 s17, $0x1FC;
	[tilespmem:s15+$0x810 ss:$0x81] =	vst.msk $0xffff, v2;
	s19 =	smov.u32 s17;
	s17 =	sadd.s32 $0x4, s17  }
.Ltmp3:
0x35: {  	v2 =	vld [tilespmem:s18+$0xFFFFFFF0];
	[tilespmem:s15+$0x1020 ss:$0x81] =	vst.msk $0xffff, v0;
	(pc) =	sbr.rel @p1 .LBB1_3-.Ltmp3, $4  }
0x36: {  	v0 =	vld [tilespmem:s18+$0x0];
	[tilespmem:s15+$0x0 ss:$0x81] =	vst.msk $0xffff, v1  }
0x37: {  	s15 =	sshra.s32 s19, $0x2;
	v1 =	vld [tilespmem:s18+$0xFFFFFFE0]  }
0x38: {  	s15 =	sadd.s32 s15, s16  }
0x39: {  	s18 =	sadd.s32 $0x40, s18;
	[tilespmem:s15+$0x1830 ss:$0x81] =	vst.msk $0xffff, v3  }
.Ltmp4:
0x3a: {  	_ = 	snop;
	(pc) =	sbr.rel .LBB1_4-.Ltmp4, $1  }
0x3b: {  	_ =	sdelay $0x3  }
.LBB1_6:
0x3c: {  	_ =	sfence.sel $0x180000  }
0x3d: {  	s2 =	simm.s32 $0x1;
	[bflag:$0x0] =	sbarrier.arrive $0xFFFF  }
0x3e: {  	s31 =	simm.s32 $0x2;
	[sflag:s2] =	ssyncpa.u1 $0x1  }
0x3f: {  	[sflag:s31] =	ssyncpa.u1 $0x1  }
0x40: {  	p0 =	sne.s32 s0, $0x0;
	_ =	strace $0x9000004A  }
0x41: {  	s0 =	sadd.s32 @!p0 $0x100000, s1;
	[bflag:$0x2] =	sbarrier.arrive $0xFFFF  }
0x42: {  	[sflag:s0] =	ssyncadd.tile.s32 @!p0 $0x1;
	_ =	shalt  }
.Lfunc_end1:
_tile_overlayer_lowered:
.L_overlay_start_2:
0x43: {  	(tag) =	ssettag $0x2  }
0x44: {  	s0 =	rddreg [dreg:$0x0];
	s2 =	stileid.u32  }
0x45: {  	s1 =	rddreg [dreg:$0x1];
	p0 =	sne.s32 s2, $0x0  }
0x46: {  	s3 =	rddreg [dreg:$0x2];
	[bflag:$0x3] =	sbarrier.arrive $0xFFFF;
	s2 =	simm.s32 @!p0 $0x1C01  }
0x47: {  	[timem:s3], [sflag:s2] =	dma.local @!p0 [hbm:s0], s1  }
0x48: {  	s0 =	simm.s32 @!p0 $0x1  }
0x49: {  	_ =	swait.ge @!p0 [sflag:s0], s1  }
0x4a: {  	s1 =	ssub.s32 @!p0 $0x0, s1;
	[sflag:s0] =	ssyncset.done @!p0 $0x0  }
0x4b: {  	[sflag:s0] =	ssyncadd.s32 @!p0 s1  }
0x4c: {  	[bflag:$0x3] =	sbarrier.arrive $0xFFFF  }
0x4d: {  	_ =	shalt  }

</sc_bundles>
